<compile_context>
chip_gen: v7x
topology: tpu7x:2x2x1
jax: 0.10.2.dev20260603
libtpu: 0.0.44.dev20260713+nightly
codegen_flags: <defaults>
</compile_context>

<pallas_src>
import functools

import jax
import jax.numpy as jnp
from jax import lax
from jax.experimental import pallas as pl
from jax.experimental.pallas import tpu as pltpu
from jax.experimental.pallas import tpu_sc as plsc

B, N, M, C = 4, 20000, 100, 91
BLK = 4096
NBLK = (N + BLK - 1) // BLK
NPAD = NBLK * BLK
NWK = 32
PERW = NPAD // NWK
NV = PERW // 16
MPAD = 128
NCH = NWK * 16
BIG = 2**30
NEG = -3.0e38


def _bcast(vec, idxv):
    return jax.lax.gather(
        vec, idxv[:, None],
        jax.lax.GatherDimensionNumbers(offset_dims=(), collapsed_slice_dims=(0,),
                                       start_index_map=(0,)),
        (1,), mode=jax.lax.GatherScatterMode.PROMISE_IN_BOUNDS)


def _sig_body(logits_ref, scores_ref):
    x = logits_ref[...]
    scores_ref[...] = 0.5 * jnp.tanh(0.5 * x) + 0.5


def _sc_body(pb_hbm, gt_hbm, best_hbm, idx_hbm, pgm_hbm, pgi_hbm,
             pbv, gtv, acv, abv, aiv, pgm, pgi):
    cid = lax.axis_index("c")
    sid = lax.axis_index("s")
    wid = sid * 2 + cid
    base = wid * PERW
    pltpu.sync_copy(pb_hbm.at[:, pl.ds(base, PERW)], pbv)
    pltpu.sync_copy(gt_hbm, gtv)
    lane = lax.iota(jnp.int32, 16)
    z16 = jnp.zeros((16,), jnp.int32)

    def vinit(v, _):
        off = pl.multiple_of(v * 16, 16)
        acx = pbv[0, pl.ds(off, 16)]
        acy = pbv[1, pl.ds(off, 16)]
        aw = pbv[2, pl.ds(off, 16)]
        ah = pbv[3, pl.ds(off, 16)]
        acv[0, pl.ds(off, 16)] = acx - 0.5 * aw
        acv[1, pl.ds(off, 16)] = acy - 0.5 * ah
        acv[2, pl.ds(off, 16)] = acx + 0.5 * aw
        acv[3, pl.ds(off, 16)] = acy + 0.5 * ah
        acv[4, pl.ds(off, 16)] = aw * ah
        abv[pl.ds(off, 16)] = jnp.full((16,), NEG, jnp.float32)
        aiv[pl.ds(off, 16)] = jnp.zeros((16,), jnp.int32)
        return 0

    lax.fori_loop(0, NV, vinit, 0)

    def jloop(j, _):
        joff = pl.multiple_of((j >> 4) << 4, 16)
        jlane = z16 + (j & 15)
        gcx = _bcast(gtv[0, pl.ds(joff, 16)], jlane)
        gcy = _bcast(gtv[1, pl.ds(joff, 16)], jlane)
        gw = _bcast(gtv[2, pl.ds(joff, 16)], jlane)
        gh = _bcast(gtv[3, pl.ds(joff, 16)], jlane)
        gx0 = gcx - 0.5 * gw
        gy0 = gcy - 0.5 * gh
        gx1 = gcx + 0.5 * gw
        gy1 = gcy + 0.5 * gh
        garea = gw * gh

        def vbody(v, carry):
            gmv, giv = carry
            off = pl.multiple_of(v * 16, 16)
            ax0 = acv[0, pl.ds(off, 16)]
            ay0 = acv[1, pl.ds(off, 16)]
            ax1 = acv[2, pl.ds(off, 16)]
            ay1 = acv[3, pl.ds(off, 16)]
            aarea = acv[4, pl.ds(off, 16)]
            iw = jnp.maximum(jnp.minimum(gx1, ax1) - jnp.maximum(gx0, ax0), 0.0)
            ih = jnp.maximum(jnp.minimum(gy1, ay1) - jnp.maximum(gy0, ay0), 0.0)
            inter = iw * ih
            union = garea + aarea - inter
            iou = inter / union
            ew = jnp.maximum(gx1, ax1) - jnp.minimum(gx0, ax0)
            eh = jnp.maximum(gy1, ay1) - jnp.minimum(gy0, ay0)
            area_e = ew * eh
            giou = iou - (area_e - union) / area_e
            gidxv = base + off + lane
            giou = jnp.where(gidxv < N, giou, NEG)
            ab = abv[pl.ds(off, 16)]
            u = giou > ab
            abv[pl.ds(off, 16)] = jnp.where(u, giou, ab)
            ai = aiv[pl.ds(off, 16)]
            aiv[pl.ds(off, 16)] = jnp.where(u, j, ai)
            u2 = giou > gmv
            return (jnp.where(u2, giou, gmv), jnp.where(u2, gidxv, giv))

        gmv, giv = lax.fori_loop(
            0, NV, vbody,
            (jnp.full((16,), NEG, jnp.float32), jnp.zeros((16,), jnp.int32)))
        pgm[j] = gmv
        pgi[j] = giv
        return 0

    lax.fori_loop(0, M, jloop, 0)

    pltpu.sync_copy(pgm, pgm_hbm.at[wid])
    pltpu.sync_copy(pgi, pgi_hbm.at[wid])
    pltpu.sync_copy(abv, best_hbm.at[pl.ds(base, PERW)])
    pltpu.sync_copy(aiv, idx_hbm.at[pl.ds(base, PERW)])


def _merge_body(pgm_ref, pgi_ref, bin_ref, iin_ref, best_ref, idx_ref):
    val = pgm_ref[...]
    gid = pgi_ref[...]
    m = jnp.max(val, axis=0, keepdims=True)
    banchor = jnp.min(jnp.where(val == m, gid, BIG), axis=0,
                      keepdims=True)
    banchor_col = banchor.reshape(MPAD, 1)
    allcols = jax.lax.broadcasted_iota(jnp.int32, (MPAD, NPAD), 1)
    jrow = jax.lax.broadcasted_iota(jnp.int32, (MPAD, NPAD), 0)
    ok = jnp.logical_and(allcols == banchor_col, jrow < M)
    assigned = jnp.max(jnp.where(ok, jrow, -1), axis=0, keepdims=True)
    hit = assigned >= 0
    idx_ref[...] = jnp.where(hit, assigned, iin_ref[...])
    best_ref[...] = jnp.where(hit, 1.0, bin_ref[...])


@jax.jit
def kernel(pred_boxes, pred_logits, gt_boxes, gt_labels):
    logits_v = pred_logits.transpose(2, 0, 1)
    pb_v = pred_boxes.transpose(0, 2, 1)[0]
    pbp = jnp.pad(pb_v, ((0, 0), (0, NPAD - N)))
    gt_v = gt_boxes.transpose(0, 2, 1)[0]
    gtp = jnp.pad(gt_v, ((0, 0), (0, MPAD - M)))

    scores_v = pl.pallas_call(
        _sig_body,
        grid=(NBLK,),
        in_specs=[pl.BlockSpec((C, B, BLK), lambda i: (0, 0, i))],
        out_specs=pl.BlockSpec((C, B, BLK), lambda i: (0, 0, i)),
        out_shape=jax.ShapeDtypeStruct((C, B, N), jnp.float32),
    )(logits_v)

    sc = functools.partial(
        pl.kernel,
        mesh=plsc.VectorSubcoreMesh(core_axis_name="c", subcore_axis_name="s"),
        out_type=[
            jax.ShapeDtypeStruct((NPAD,), jnp.float32),
            jax.ShapeDtypeStruct((NPAD,), jnp.int32),
            jax.ShapeDtypeStruct((NWK, MPAD, 16), jnp.float32),
            jax.ShapeDtypeStruct((NWK, MPAD, 16), jnp.int32),
        ],
        scratch_types=[
            pltpu.VMEM((4, PERW), jnp.float32),
            pltpu.VMEM((4, MPAD), jnp.float32),
            pltpu.VMEM((5, PERW), jnp.float32),
            pltpu.VMEM((PERW,), jnp.float32),
            pltpu.VMEM((PERW,), jnp.int32),
            pltpu.VMEM((MPAD, 16), jnp.float32),
            pltpu.VMEM((MPAD, 16), jnp.int32),
        ],
    )(_sc_body)
    best_sc, idx_sc, pgm, pgi = sc(pbp, gtp)

    pgm2 = pgm.transpose(0, 2, 1).reshape(NCH, MPAD)
    pgi2 = pgi.transpose(0, 2, 1).reshape(NCH, MPAD)

    best, idx = pl.pallas_call(
        _merge_body,
        in_specs=[
            pl.BlockSpec((NCH, MPAD), lambda: (0, 0)),
            pl.BlockSpec((NCH, MPAD), lambda: (0, 0)),
            pl.BlockSpec((1, NPAD), lambda: (0, 0)),
            pl.BlockSpec((1, NPAD), lambda: (0, 0)),
        ],
        out_specs=[
            pl.BlockSpec((1, NPAD), lambda: (0, 0)),
            pl.BlockSpec((1, NPAD), lambda: (0, 0)),
        ],
        out_shape=[
            jax.ShapeDtypeStruct((1, NPAD), jnp.float32),
            jax.ShapeDtypeStruct((1, NPAD), jnp.int32),
        ],
    )(pgm2, pgi2, best_sc.reshape(1, NPAD), idx_sc.reshape(1, NPAD))

    return best[0, :N], idx[0, :N], scores_v.transpose(1, 2, 0)

# --- scband reference (transcript-rebuilt; emitter-appended) ---
"""Pipeline reference for scband-ssdmatcher-11467562680933 (READ-ONLY COPY).

The authoritative reference and input builder live on the scoring server;
editing this copy changes nothing except your own understanding.
"""

import jax, jax.numpy as jnp
import numpy as np


def center_to_corners(b):
    cx, cy, w, h = b[..., 0], b[..., 1], b[..., 2], b[..., 3]
    return jnp.stack([cx - 0.5 * w, cy - 0.5 * h, cx + 0.5 * w, cy + 0.5 * h], axis=-1)


def box_area(b):
    return (b[..., 2] - b[..., 0]) * (b[..., 3] - b[..., 1])


def generalized_box_iou(boxes1, boxes2):
    area1 = box_area(boxes1)
    area2 = box_area(boxes2)
    lt = jnp.maximum(boxes1[:, None, :2], boxes2[None, :, :2])
    rb = jnp.minimum(boxes1[:, None, 2:], boxes2[None, :, 2:])
    wh = jnp.clip(rb - lt, 0.0)
    inter = wh[..., 0] * wh[..., 1]
    union = area1[:, None] + area2[None, :] - inter
    iou = inter / union
    lt_e = jnp.minimum(boxes1[:, None, :2], boxes2[None, :, :2])
    rb_e = jnp.maximum(boxes1[:, None, 2:], boxes2[None, :, 2:])
    wh_e = jnp.clip(rb_e - lt_e, 0.0)
    area_e = wh_e[..., 0] * wh_e[..., 1]
    return iou - (area_e - union) / area_e


def setup_inputs(seed: int = 0) -> dict:
    key = jax.random.key(seed)
    k1, k2, k3, k4 = jax.random.split(key, 4)
    B, N, M, C = 4, 20000, 100, 91
    pred_boxes = jax.random.uniform(k1, (B, N, 4), dtype=jnp.float32)
    pred_logits = jax.random.normal(k2, (B, N, C), dtype=jnp.float32)
    gt_boxes = jax.random.uniform(k3, (B, M, 4), dtype=jnp.float32)
    gt_labels = jax.random.randint(k4, (B, M), 0, C).astype(jnp.int64)
    return {"pred_boxes": pred_boxes, "pred_logits": pred_logits, "gt_boxes": gt_boxes, "gt_labels": gt_labels}


def reference(pred_boxes, pred_logits, gt_boxes, gt_labels):
    # Faithful to the torch module: sigmoid scores, then per-image matching.
    # The torch loop returns after the first image; we compute image 0's
    # matching tensors (the values materialized before the early return).
    pred_scores = jax.nn.sigmoid(pred_logits)
    i = 0
    n_objects = gt_boxes[i].shape[0]
    gt_boxes_corners = center_to_corners(gt_boxes[i])
    pred_boxes_corners = center_to_corners(pred_boxes[i])
    overlap_gt_x_anchor = generalized_box_iou(gt_boxes_corners, pred_boxes_corners)
    best_gt_by_anchor = jnp.max(overlap_gt_x_anchor, axis=0)
    best_gt_idx_by_anchor = jnp.argmax(overlap_gt_x_anchor, axis=0)
    best_anchor_idx_by_gt = jnp.argmax(overlap_gt_x_anchor, axis=1)
    best_gt_idx_by_anchor = best_gt_idx_by_anchor.at[best_anchor_idx_by_gt].set(jnp.arange(n_objects))
    best_gt_by_anchor = best_gt_by_anchor.at[best_anchor_idx_by_gt].set(1.0)
    return (best_gt_by_anchor, best_gt_idx_by_anchor, pred_scores)

if __name__ == "__main__":
    import jax
    _d = setup_inputs()
    print(jax.jit(kernel)(*tuple(_d.values())))

</pallas_src>

<mosaic_0001>
#map = affine_map<(d0, d1) -> (0, 0)>
#map1 = affine_map<(d0, d1) -> (0)>
#map2 = affine_map<(d0, d1) -> (0, 0, 0)>
module attributes {stable_mosaic.version = 14 : i64} {
  func.func @_sc_body(%arg0: i32, %arg1: i32, %arg2: memref<4x20480xf32, #tpu.memory_space<hbm>>, %arg3: memref<4x128xf32, #tpu.memory_space<hbm>>, %arg4: memref<20480xf32, #tpu.memory_space<hbm>>, %arg5: memref<20480xi32, #tpu.memory_space<hbm>>, %arg6: memref<32x128x16xf32, #tpu.memory_space<hbm>>, %arg7: memref<32x128x16xi32, #tpu.memory_space<hbm>>, %arg8: memref<4x640xf32, #tpu.memory_space<vmem>>, %arg9: memref<4x128xf32, #tpu.memory_space<vmem>>, %arg10: memref<5x640xf32, #tpu.memory_space<vmem>>, %arg11: memref<640xf32, #tpu.memory_space<vmem>>, %arg12: memref<640xi32, #tpu.memory_space<vmem>>, %arg13: memref<128x16xf32, #tpu.memory_space<vmem>>, %arg14: memref<128x16xi32, #tpu.memory_space<vmem>>) attributes {dimension_semantics = [#tpu.dimension_semantics<core_parallel>, #tpu.dimension_semantics<subcore_parallel>], iteration_bounds = array<i64: 2, 16>, scalar_prefetch = 0 : i64, scratch_operands = 7 : i64, tpu.core_type = #tpu.core_type<sc_vector_subcore>, window_params = [{transform_indices = #map}, {transform_indices = #map}, {transform_indices = #map1}, {transform_indices = #map1}, {transform_indices = #map2}, {transform_indices = #map2}]} {
    %mul3A = arith.constant 2 : i32
    %mul3A_0 = arith.muli %arg1, %mul3A : i32
    %add3A = arith.addi %mul3A_0, %arg0 : i32
    %mul3A_1 = arith.constant 640 : i32
    %mul3A_2 = arith.muli %add3A, %mul3A_1 : i32
    "tpu.region"() ({
      %run_scoped3A = tpu.sem_alloc : memref<!tpu.dma_semaphore, #tpu.memory_space<semaphore_mem>>
      %dma_start3A = arith.constant 0 : i32
      %dma_start3A_17 = tpu.memref_slice %arg2[%dma_start3A, %mul3A_2] : memref<4x20480xf32, #tpu.memory_space<hbm>> -> memref<4x640xf32, #tpu.memory_space<hbm>>
      %dma_start3A_18 = arith.constant 0 : i32
      %dma_start3A_19 = tpu.memref_slice %arg2[%dma_start3A_18, %mul3A_2] : memref<4x20480xf32, #tpu.memory_space<hbm>> -> memref<4x640xf32, #tpu.memory_space<hbm>>
      tpu.enqueue_dma source(%dma_start3A_19 : memref<4x640xf32, #tpu.memory_space<hbm>>) target(%arg8 : memref<4x640xf32, #tpu.memory_space<vmem>>) target_semaphore(%run_scoped3A : memref<!tpu.dma_semaphore, #tpu.memory_space<semaphore_mem>>)
      %dma_wait3A = arith.constant 0 : i32
      %dma_wait3A_20 = tpu.memref_slice %arg2[%dma_wait3A, %mul3A_2] : memref<4x20480xf32, #tpu.memory_space<hbm>> -> memref<4x640xf32, #tpu.memory_space<hbm>>
      %dma_wait3A_21 = arith.constant 0 : i32
      %dma_wait3A_22 = tpu.memref_slice %arg2[%dma_wait3A_21, %mul3A_2] : memref<4x20480xf32, #tpu.memory_space<hbm>> -> memref<4x640xf32, #tpu.memory_space<hbm>>
      tpu.wait_dma2 semaphore(%run_scoped3A : memref<!tpu.dma_semaphore, #tpu.memory_space<semaphore_mem>>) src(%dma_wait3A_22 : memref<4x640xf32, #tpu.memory_space<hbm>>) dst(%arg8 : memref<4x640xf32, #tpu.memory_space<vmem>>)
      tpu.yield
    }) : () -> ()
    "tpu.region"() ({
      %run_scoped3A = tpu.sem_alloc : memref<!tpu.dma_semaphore, #tpu.memory_space<semaphore_mem>>
      tpu.enqueue_dma source(%arg3 : memref<4x128xf32, #tpu.memory_space<hbm>>) target(%arg9 : memref<4x128xf32, #tpu.memory_space<vmem>>) target_semaphore(%run_scoped3A : memref<!tpu.dma_semaphore, #tpu.memory_space<semaphore_mem>>)
      tpu.wait_dma2 semaphore(%run_scoped3A : memref<!tpu.dma_semaphore, #tpu.memory_space<semaphore_mem>>) src(%arg3 : memref<4x128xf32, #tpu.memory_space<hbm>>) dst(%arg9 : memref<4x128xf32, #tpu.memory_space<vmem>>)
      tpu.yield
    }) : () -> ()
    %iota3A = tpu.iota {dimensions = array<i32: 0>} : vector<16xi32>
    %broadcast_in_dim3A = arith.constant 0 : i32
    %broadcast_in_dim3A_3 = vector.broadcast %broadcast_in_dim3A : i32 to vector<16xi32>
    %scan3A = arith.constant 0 : i32
    %scan3A_4 = arith.constant 0 : i32
    %scan3A_5 = arith.constant 40 : i32
    %scan3A_6 = arith.addi %scan3A_4, %scan3A_5 : i32
    %scan3A_7 = arith.constant 1 : i32
    %scan3A_8 = scf.for %scan3A_17 = %scan3A_4 to %scan3A_6 step %scan3A_7 iter_args(%scan3A_18 = %scan3A) -> (i32)  : i32 {
      %mul3A_19 = arith.constant 16 : i32
      %mul3A_20 = arith.muli %scan3A_17, %mul3A_19 : i32
      %multiple_of3A = tpu.assume_multiple %mul3A_20, 16 : i32
      %get3A = arith.constant 0 : i32
      %get3A_21 = arith.index_cast %get3A : i32 to index
      %get3A_22 = arith.index_cast %multiple_of3A : i32 to index
      %get3A_23 = tpu.vector_load %arg8[%get3A_21, %get3A_22] {strides = array<i32>} : memref<4x640xf32, #tpu.memory_space<vmem>>, vector<1x16xf32>,
      %get3A_24 = vector.shape_cast %get3A_23 : vector<1x16xf32> to vector<16xf32>
      %get3A_25 = arith.constant 1 : i32
      %get3A_26 = arith.index_cast %get3A_25 : i32 to index
      %get3A_27 = arith.index_cast %multiple_of3A : i32 to index
      %get3A_28 = tpu.vector_load %arg8[%get3A_26, %get3A_27] {strides = array<i32>} : memref<4x640xf32, #tpu.memory_space<vmem>>, vector<1x16xf32>,
      %get3A_29 = vector.shape_cast %get3A_28 : vector<1x16xf32> to vector<16xf32>
      %get3A_30 = arith.constant 2 : i32
      %get3A_31 = arith.index_cast %get3A_30 : i32 to index
      %get3A_32 = arith.index_cast %multiple_of3A : i32 to index
      %get3A_33 = tpu.vector_load %arg8[%get3A_31, %get3A_32] {strides = array<i32>} : memref<4x640xf32, #tpu.memory_space<vmem>>, vector<1x16xf32>,
      %get3A_34 = vector.shape_cast %get3A_33 : vector<1x16xf32> to vector<16xf32>
      %get3A_35 = arith.constant 3 : i32
      %get3A_36 = arith.index_cast %get3A_35 : i32 to index
      %get3A_37 = arith.index_cast %multiple_of3A : i32 to index
      %get3A_38 = tpu.vector_load %arg8[%get3A_36, %get3A_37] {strides = array<i32>} : memref<4x640xf32, #tpu.memory_space<vmem>>, vector<1x16xf32>,
      %get3A_39 = vector.shape_cast %get3A_38 : vector<1x16xf32> to vector<16xf32>
      %mul3A_40 = arith.constant 5.000000e-01 : f32
      %mul3A_41 = vector.broadcast %mul3A_40 : f32 to vector<16xf32>
      %mul3A_42 = arith.mulf %mul3A_41, %get3A_34 : vector<16xf32>
      %sub3A = arith.subf %get3A_24, %mul3A_42 : vector<16xf32>
      %swap3A = arith.constant 0 : i32
      %swap3A_43 = arith.index_cast %swap3A : i32 to index
      %swap3A_44 = arith.index_cast %multiple_of3A : i32 to index
      %swap3A_45 = tpu.vector_load %arg10[%swap3A_43, %swap3A_44] {strides = array<i32>} : memref<5x640xf32, #tpu.memory_space<vmem>>, vector<1x16xf32>,
      %swap3A_46 = vector.shape_cast %swap3A_45 : vector<1x16xf32> to vector<16xf32>
      %swap3A_47 = vector.shape_cast %sub3A : vector<16xf32> to vector<1x16xf32>
      tpu.vector_store %arg10[%swap3A_43, %swap3A_44], %swap3A_47 {strides = array<i32>} : memref<5x640xf32, #tpu.memory_space<vmem>>, vector<1x16xf32>,
      %mul3A_48 = arith.constant 5.000000e-01 : f32
      %mul3A_49 = vector.broadcast %mul3A_48 : f32 to vector<16xf32>
      %mul3A_50 = arith.mulf %mul3A_49, %get3A_39 : vector<16xf32>
      %sub3A_51 = arith.subf %get3A_29, %mul3A_50 : vector<16xf32>
      %swap3A_52 = arith.constant 1 : i32
      %swap3A_53 = arith.index_cast %swap3A_52 : i32 to index
      %swap3A_54 = arith.index_cast %multiple_of3A : i32 to index
      %swap3A_55 = tpu.vector_load %arg10[%swap3A_53, %swap3A_54] {strides = array<i32>} : memref<5x640xf32, #tpu.memory_space<vmem>>, vector<1x16xf32>,
      %swap3A_56 = vector.shape_cast %swap3A_55 : vector<1x16xf32> to vector<16xf32>
      %swap3A_57 = vector.shape_cast %sub3A_51 : vector<16xf32> to vector<1x16xf32>
      tpu.vector_store %arg10[%swap3A_53, %swap3A_54], %swap3A_57 {strides = array<i32>} : memref<5x640xf32, #tpu.memory_space<vmem>>, vector<1x16xf32>,
      %mul3A_58 = arith.constant 5.000000e-01 : f32
      %mul3A_59 = vector.broadcast %mul3A_58 : f32 to vector<16xf32>
      %mul3A_60 = arith.mulf %mul3A_59, %get3A_34 : vector<16xf32>
      %add3A_61 = arith.addf %get3A_24, %mul3A_60 : vector<16xf32>
      %swap3A_62 = arith.constant 2 : i32
      %swap3A_63 = arith.index_cast %swap3A_62 : i32 to index
      %swap3A_64 = arith.index_cast %multiple_of3A : i32 to index
      %swap3A_65 = tpu.vector_load %arg10[%swap3A_63, %swap3A_64] {strides = array<i32>} : memref<5x640xf32, #tpu.memory_space<vmem>>, vector<1x16xf32>,
      %swap3A_66 = vector.shape_cast %swap3A_65 : vector<1x16xf32> to vector<16xf32>
      %swap3A_67 = vector.shape_cast %add3A_61 : vector<16xf32> to vector<1x16xf32>
      tpu.vector_store %arg10[%swap3A_63, %swap3A_64], %swap3A_67 {strides = array<i32>} : memref<5x640xf32, #tpu.memory_space<vmem>>, vector<1x16xf32>,
      %mul3A_68 = arith.constant 5.000000e-01 : f32
      %mul3A_69 = vector.broadcast %mul3A_68 : f32 to vector<16xf32>
      %mul3A_70 = arith.mulf %mul3A_69, %get3A_39 : vector<16xf32>
      %add3A_71 = arith.addf %get3A_29, %mul3A_70 : vector<16xf32>
      %swap3A_72 = arith.constant 3 : i32
      %swap3A_73 = arith.index_cast %swap3A_72 : i32 to index
      %swap3A_74 = arith.index_cast %multiple_of3A : i32 to index
      %swap3A_75 = tpu.vector_load %arg10[%swap3A_73, %swap3A_74] {strides = array<i32>} : memref<5x640xf32, #tpu.memory_space<vmem>>, vector<1x16xf32>,
      %swap3A_76 = vector.shape_cast %swap3A_75 : vector<1x16xf32> to vector<16xf32>
      %swap3A_77 = vector.shape_cast %add3A_71 : vector<16xf32> to vector<1x16xf32>
      tpu.vector_store %arg10[%swap3A_73, %swap3A_74], %swap3A_77 {strides = array<i32>} : memref<5x640xf32, #tpu.memory_space<vmem>>, vector<1x16xf32>,
      %mul3A_78 = arith.mulf %get3A_34, %get3A_39 : vector<16xf32>
      %swap3A_79 = arith.constant 4 : i32
      %swap3A_80 = arith.index_cast %swap3A_79 : i32 to index
      %swap3A_81 = arith.index_cast %multiple_of3A : i32 to index
      %swap3A_82 = tpu.vector_load %arg10[%swap3A_80, %swap3A_81] {strides = array<i32>} : memref<5x640xf32, #tpu.memory_space<vmem>>, vector<1x16xf32>,
      %swap3A_83 = vector.shape_cast %swap3A_82 : vector<1x16xf32> to vector<16xf32>
      %swap3A_84 = vector.shape_cast %mul3A_78 : vector<16xf32> to vector<1x16xf32>
      tpu.vector_store %arg10[%swap3A_80, %swap3A_81], %swap3A_84 {strides = array<i32>} : memref<5x640xf32, #tpu.memory_space<vmem>>, vector<1x16xf32>,
      %broadcast_in_dim3A_85 = arith.constant -3.000000e+38 : f32
      %broadcast_in_dim3A_86 = vector.broadcast %broadcast_in_dim3A_85 : f32 to vector<16xf32>
      %swap3A_87 = arith.index_cast %multiple_of3A : i32 to index
      %swap3A_88 = tpu.vector_load %arg11[%swap3A_87] {strides = array<i32>} : memref<640xf32, #tpu.memory_space<vmem>>, vector<16xf32>,
      %swap3A_89 = vector.shape_cast %swap3A_88 : vector<16xf32> to vector<16xf32>
      %swap3A_90 = vector.shape_cast %broadcast_in_dim3A_86 : vector<16xf32> to vector<16xf32>
      tpu.vector_store %arg11[%swap3A_87], %swap3A_90 {strides = array<i32>} : memref<640xf32, #tpu.memory_space<vmem>>, vector<16xf32>,
      %broadcast_in_dim3A_91 = arith.constant 0 : i32
      %broadcast_in_dim3A_92 = vector.broadcast %broadcast_in_dim3A_91 : i32 to vector<16xi32>
      %swap3A_93 = arith.index_cast %multiple_of3A : i32 to index
      %swap3A_94 = tpu.vector_load %arg12[%swap3A_93] {strides = array<i32>} : memref<640xi32, #tpu.memory_space<vmem>>, vector<16xi32>,
      %swap3A_95 = vector.shape_cast %swap3A_94 : vector<16xi32> to vector<16xi32>
      %swap3A_96 = vector.shape_cast %broadcast_in_dim3A_92 : vector<16xi32> to vector<16xi32>
      tpu.vector_store %arg12[%swap3A_93], %swap3A_96 {strides = array<i32>} : memref<640xi32, #tpu.memory_space<vmem>>, vector<16xi32>,
      %scan3A_97 = arith.constant 0 : i32
      scf.yield %scan3A_97 : i32
    }
    %scan3A_9 = arith.constant 40 : i32
    %scan3A_10 = arith.constant 0 : i32
    %scan3A_11 = arith.constant 0 : i32
    %scan3A_12 = arith.constant 100 : i32
    %scan3A_13 = arith.addi %scan3A_11, %scan3A_12 : i32
    %scan3A_14 = arith.constant 1 : i32
    %scan3A_15 = scf.for %scan3A_17 = %scan3A_11 to %scan3A_13 step %scan3A_14 iter_args(%scan3A_18 = %scan3A_10) -> (i32)  : i32 {
      %shift_right_arithmetic3A = arith.constant 4 : i32
      %shift_right_arithmetic3A_19 = arith.shrsi %scan3A_17, %shift_right_arithmetic3A : i32
      %shift_left3A = arith.constant 4 : i32
      %shift_left3A_20 = arith.shli %shift_right_arithmetic3A_19, %shift_left3A : i32
      %multiple_of3A = tpu.assume_multiple %shift_left3A_20, 16 : i32
      %and3A = arith.constant 15 : i32
      %and3A_21 = arith.andi %scan3A_17, %and3A : i32
      %add3A_22 = vector.broadcast %and3A_21 : i32 to vector<16xi32>
      %add3A_23 = arith.addi %broadcast_in_dim3A_3, %add3A_22 : vector<16xi32>
      %get3A = arith.constant 0 : i32
      %get3A_24 = arith.index_cast %get3A : i32 to index
      %get3A_25 = arith.index_cast %multiple_of3A : i32 to index
      %get3A_26 = tpu.vector_load %arg9[%get3A_24, %get3A_25] {strides = array<i32>} : memref<4x128xf32, #tpu.memory_space<vmem>>, vector<1x16xf32>,
      %get3A_27 = vector.shape_cast %get3A_26 : vector<1x16xf32> to vector<16xf32>
      %broadcast_in_dim3A_28 = vector.shape_cast %add3A_23 : vector<16xi32> to vector<16x1xi32>
      %gather3A = vector.shape_cast %broadcast_in_dim3A_28 : vector<16x1xi32> to vector<16xi32>
      %gather3A_29 = tpu.dynamic_gather %get3A_27[%gather3A] in [0] : vector<16xf32>, vector<16xi32> -> vector<16xf32>
      %get3A_30 = arith.constant 1 : i32
      %get3A_31 = arith.index_cast %get3A_30 : i32 to index
      %get3A_32 = arith.index_cast %multiple_of3A : i32 to index
      %get3A_33 = tpu.vector_load %arg9[%get3A_31, %get3A_32] {strides = array<i32>} : memref<4x128xf32, #tpu.memory_space<vmem>>, vector<1x16xf32>,
      %get3A_34 = vector.shape_cast %get3A_33 : vector<1x16xf32> to vector<16xf32>
      %broadcast_in_dim3A_35 = vector.shape_cast %add3A_23 : vector<16xi32> to vector<16x1xi32>
      %gather3A_36 = vector.shape_cast %broadcast_in_dim3A_35 : vector<16x1xi32> to vector<16xi32>
      %gather3A_37 = tpu.dynamic_gather %get3A_34[%gather3A_36] in [0] : vector<16xf32>, vector<16xi32> -> vector<16xf32>
      %get3A_38 = arith.constant 2 : i32
      %get3A_39 = arith.index_cast %get3A_38 : i32 to index
      %get3A_40 = arith.index_cast %multiple_of3A : i32 to index
      %get3A_41 = tpu.vector_load %arg9[%get3A_39, %get3A_40] {strides = array<i32>} : memref<4x128xf32, #tpu.memory_space<vmem>>, vector<1x16xf32>,
      %get3A_42 = vector.shape_cast %get3A_41 : vector<1x16xf32> to vector<16xf32>
      %broadcast_in_dim3A_43 = vector.shape_cast %add3A_23 : vector<16xi32> to vector<16x1xi32>
      %gather3A_44 = vector.shape_cast %broadcast_in_dim3A_43 : vector<16x1xi32> to vector<16xi32>
      %gather3A_45 = tpu.dynamic_gather %get3A_42[%gather3A_44] in [0] : vector<16xf32>, vector<16xi32> -> vector<16xf32>
      %get3A_46 = arith.constant 3 : i32
      %get3A_47 = arith.index_cast %get3A_46 : i32 to index
      %get3A_48 = arith.index_cast %multiple_of3A : i32 to index
      %get3A_49 = tpu.vector_load %arg9[%get3A_47, %get3A_48] {strides = array<i32>} : memref<4x128xf32, #tpu.memory_space<vmem>>, vector<1x16xf32>,
      %get3A_50 = vector.shape_cast %get3A_49 : vector<1x16xf32> to vector<16xf32>
      %broadcast_in_dim3A_51 = vector.shape_cast %add3A_23 : vector<16xi32> to vector<16x1xi32>
      %gather3A_52 = vector.shape_cast %broadcast_in_dim3A_51 : vector<16x1xi32> to vector<16xi32>
      %gather3A_53 = tpu.dynamic_gather %get3A_50[%gather3A_52] in [0] : vector<16xf32>, vector<16xi32> -> vector<16xf32>
      %mul3A_54 = arith.constant 5.000000e-01 : f32
      %mul3A_55 = vector.broadcast %mul3A_54 : f32 to vector<16xf32>
      %mul3A_56 = arith.mulf %mul3A_55, %gather3A_45 : vector<16xf32>
      %sub3A = arith.subf %gather3A_29, %mul3A_56 : vector<16xf32>
      %mul3A_57 = arith.constant 5.000000e-01 : f32
      %mul3A_58 = vector.broadcast %mul3A_57 : f32 to vector<16xf32>
      %mul3A_59 = arith.mulf %mul3A_58, %gather3A_53 : vector<16xf32>
      %sub3A_60 = arith.subf %gather3A_37, %mul3A_59 : vector<16xf32>
      %mul3A_61 = arith.constant 5.000000e-01 : f32
      %mul3A_62 = vector.broadcast %mul3A_61 : f32 to vector<16xf32>
      %mul3A_63 = arith.mulf %mul3A_62, %gather3A_45 : vector<16xf32>
      %add3A_64 = arith.addf %gather3A_29, %mul3A_63 : vector<16xf32>
      %mul3A_65 = arith.constant 5.000000e-01 : f32
      %mul3A_66 = vector.broadcast %mul3A_65 : f32 to vector<16xf32>
      %mul3A_67 = arith.mulf %mul3A_66, %gather3A_53 : vector<16xf32>
      %add3A_68 = arith.addf %gather3A_37, %mul3A_67 : vector<16xf32>
      %mul3A_69 = arith.mulf %gather3A_45, %gather3A_53 : vector<16xf32>
      %broadcast_in_dim3A_70 = arith.constant -3.000000e+38 : f32
      %broadcast_in_dim3A_71 = vector.broadcast %broadcast_in_dim3A_70 : f32 to vector<16xf32>
      %broadcast_in_dim3A_72 = arith.constant 0 : i32
      %broadcast_in_dim3A_73 = vector.broadcast %broadcast_in_dim3A_72 : i32 to vector<16xi32>
      %scan3A_74 = arith.constant 0 : i32
      %scan3A_75 = arith.constant 40 : i32
      %scan3A_76 = arith.addi %scan3A_74, %scan3A_75 : i32
      %scan3A_77 = arith.constant 1 : i32
      %scan3A_78:2 = scf.for %scan3A_90 = %scan3A_74 to %scan3A_76 step %scan3A_77 iter_args(%scan3A_91 = %broadcast_in_dim3A_71, %scan3A_92 = %broadcast_in_dim3A_73) -> (vector<16xf32>, vector<16xi32>)  : i32 {
        %mul3A_93 = arith.constant 16 : i32
        %mul3A_94 = arith.muli %scan3A_90, %mul3A_93 : i32
        %multiple_of3A_95 = tpu.assume_multiple %mul3A_94, 16 : i32
        %get3A_96 = arith.constant 0 : i32
        %get3A_97 = arith.index_cast %get3A_96 : i32 to index
        %get3A_98 = arith.index_cast %multiple_of3A_95 : i32 to index
        %get3A_99 = tpu.vector_load %arg10[%get3A_97, %get3A_98] {strides = array<i32>} : memref<5x640xf32, #tpu.memory_space<vmem>>, vector<1x16xf32>,
        %get3A_100 = vector.shape_cast %get3A_99 : vector<1x16xf32> to vector<16xf32>
        %get3A_101 = arith.constant 1 : i32
        %get3A_102 = arith.index_cast %get3A_101 : i32 to index
        %get3A_103 = arith.index_cast %multiple_of3A_95 : i32 to index
        %get3A_104 = tpu.vector_load %arg10[%get3A_102, %get3A_103] {strides = array<i32>} : memref<5x640xf32, #tpu.memory_space<vmem>>, vector<1x16xf32>,
        %get3A_105 = vector.shape_cast %get3A_104 : vector<1x16xf32> to vector<16xf32>
        %get3A_106 = arith.constant 2 : i32
        %get3A_107 = arith.index_cast %get3A_106 : i32 to index
        %get3A_108 = arith.index_cast %multiple_of3A_95 : i32 to index
        %get3A_109 = tpu.vector_load %arg10[%get3A_107, %get3A_108] {strides = array<i32>} : memref<5x640xf32, #tpu.memory_space<vmem>>, vector<1x16xf32>,
        %get3A_110 = vector.shape_cast %get3A_109 : vector<1x16xf32> to vector<16xf32>
        %get3A_111 = arith.constant 3 : i32
        %get3A_112 = arith.index_cast %get3A_111 : i32 to index
        %get3A_113 = arith.index_cast %multiple_of3A_95 : i32 to index
        %get3A_114 = tpu.vector_load %arg10[%get3A_112, %get3A_113] {strides = array<i32>} : memref<5x640xf32, #tpu.memory_space<vmem>>, vector<1x16xf32>,
        %get3A_115 = vector.shape_cast %get3A_114 : vector<1x16xf32> to vector<16xf32>
        %get3A_116 = arith.constant 4 : i32
        %get3A_117 = arith.index_cast %get3A_116 : i32 to index
        %get3A_118 = arith.index_cast %multiple_of3A_95 : i32 to index
        %get3A_119 = tpu.vector_load %arg10[%get3A_117, %get3A_118] {strides = array<i32>} : memref<5x640xf32, #tpu.memory_space<vmem>>, vector<1x16xf32>,
        %get3A_120 = vector.shape_cast %get3A_119 : vector<1x16xf32> to vector<16xf32>
        %min3A = arith.minimumf %add3A_64, %get3A_110 : vector<16xf32>
        %max3A = arith.maximumf %sub3A, %get3A_100 : vector<16xf32>
        %sub3A_121 = arith.subf %min3A, %max3A : vector<16xf32>
        %max3A_122 = arith.constant 0.000000e+00 : f32
        %max3A_123 = vector.broadcast %max3A_122 : f32 to vector<16xf32>
        %max3A_124 = arith.maximumf %sub3A_121, %max3A_123 : vector<16xf32>
        %min3A_125 = arith.minimumf %add3A_68, %get3A_115 : vector<16xf32>
        %max3A_126 = arith.maximumf %sub3A_60, %get3A_105 : vector<16xf32>
        %sub3A_127 = arith.subf %min3A_125, %max3A_126 : vector<16xf32>
        %max3A_128 = arith.constant 0.000000e+00 : f32
        %max3A_129 = vector.broadcast %max3A_128 : f32 to vector<16xf32>
        %max3A_130 = arith.maximumf %sub3A_127, %max3A_129 : vector<16xf32>
        %mul3A_131 = arith.mulf %max3A_124, %max3A_130 : vector<16xf32>
        %add3A_132 = arith.addf %mul3A_69, %get3A_120 : vector<16xf32>
        %sub3A_133 = arith.subf %add3A_132, %mul3A_131 : vector<16xf32>
        %div3A = arith.divf %mul3A_131, %sub3A_133 : vector<16xf32>
        %max3A_134 = arith.maximumf %add3A_64, %get3A_110 : vector<16xf32>
        %min3A_135 = arith.minimumf %sub3A, %get3A_100 : vector<16xf32>
        %sub3A_136 = arith.subf %max3A_134, %min3A_135 : vector<16xf32>
        %max3A_137 = arith.maximumf %add3A_68, %get3A_115 : vector<16xf32>
        %min3A_138 = arith.minimumf %sub3A_60, %get3A_105 : vector<16xf32>
        %sub3A_139 = arith.subf %max3A_137, %min3A_138 : vector<16xf32>
        %mul3A_140 = arith.mulf %sub3A_136, %sub3A_139 : vector<16xf32>
        %sub3A_141 = arith.subf %mul3A_140, %sub3A_133 : vector<16xf32>
        %div3A_142 = arith.divf %sub3A_141, %mul3A_140 : vector<16xf32>
        %sub3A_143 = arith.subf %div3A, %div3A_142 : vector<16xf32>
        %add3A_144 = arith.addi %mul3A_2, %multiple_of3A_95 : i32
        %add3A_145 = vector.broadcast %add3A_144 : i32 to vector<16xi32>
        %add3A_146 = arith.addi %add3A_145, %iota3A : vector<16xi32>
        %lt3A = arith.constant 20000 : i32
        %lt3A_147 = vector.broadcast %lt3A : i32 to vector<16xi32>
        %lt3A_148 = arith.cmpi slt, %add3A_146, %lt3A_147 : vector<16xi32>
        %jit3A = arith.constant -3.000000e+38 : f32
        %broadcast_in_dim3A_149 = vector.broadcast %jit3A : f32 to vector<16xf32>
        %select_n3A = arith.select %lt3A_148, %sub3A_143, %broadcast_in_dim3A_149 : vector<16xi1>, vector<16xf32>
        %get3A_150 = arith.index_cast %multiple_of3A_95 : i32 to index
        %get3A_151 = tpu.vector_load %arg11[%get3A_150] {strides = array<i32>} : memref<640xf32, #tpu.memory_space<vmem>>, vector<16xf32>,
        %get3A_152 = vector.shape_cast %get3A_151 : vector<16xf32> to vector<16xf32>
        %gt3A = arith.cmpf ogt, %select_n3A, %get3A_152 : vector<16xf32>
        %select_n3A_153 = arith.select %gt3A, %select_n3A, %get3A_152 : vector<16xi1>, vector<16xf32>
        %swap3A_154 = arith.index_cast %multiple_of3A_95 : i32 to index
        %swap3A_155 = tpu.vector_load %arg11[%swap3A_154] {strides = array<i32>} : memref<640xf32, #tpu.memory_space<vmem>>, vector<16xf32>,
        %swap3A_156 = vector.shape_cast %swap3A_155 : vector<16xf32> to vector<16xf32>
        %swap3A_157 = vector.shape_cast %select_n3A_153 : vector<16xf32> to vector<16xf32>
        tpu.vector_store %arg11[%swap3A_154], %swap3A_157 {strides = array<i32>} : memref<640xf32, #tpu.memory_space<vmem>>, vector<16xf32>,
        %get3A_158 = arith.index_cast %multiple_of3A_95 : i32 to index
        %get3A_159 = tpu.vector_load %arg12[%get3A_158] {strides = array<i32>} : memref<640xi32, #tpu.memory_space<vmem>>, vector<16xi32>,
        %get3A_160 = vector.shape_cast %get3A_159 : vector<16xi32> to vector<16xi32>
        %broadcast_in_dim3A_161 = vector.broadcast %scan3A_17 : i32 to vector<16xi32>
        %select_n3A_162 = arith.select %gt3A, %broadcast_in_dim3A_161, %get3A_160 : vector<16xi1>, vector<16xi32>
        %swap3A_163 = arith.index_cast %multiple_of3A_95 : i32 to index
        %swap3A_164 = tpu.vector_load %arg12[%swap3A_163] {strides = array<i32>} : memref<640xi32, #tpu.memory_space<vmem>>, vector<16xi32>,
        %swap3A_165 = vector.shape_cast %swap3A_164 : vector<16xi32> to vector<16xi32>
        %swap3A_166 = vector.shape_cast %select_n3A_162 : vector<16xi32> to vector<16xi32>
        tpu.vector_store %arg12[%swap3A_163], %swap3A_166 {strides = array<i32>} : memref<640xi32, #tpu.memory_space<vmem>>, vector<16xi32>,
        %gt3A_167 = arith.cmpf ogt, %select_n3A, %scan3A_91 : vector<16xf32>
        %select_n3A_168 = arith.select %gt3A_167, %select_n3A, %scan3A_91 : vector<16xi1>, vector<16xf32>
        %select_n3A_169 = arith.select %gt3A_167, %add3A_146, %scan3A_92 : vector<16xi1>, vector<16xi32>
        scf.yield %select_n3A_168, %select_n3A_169 : vector<16xf32>, vector<16xi32>
      }
      %scan3A_79 = arith.constant 40 : i32
      %swap3A = arith.index_cast %scan3A_17 : i32 to index
      %swap3A_80 = arith.constant 0 : index
      %swap3A_81 = tpu.vector_load %arg13[%swap3A, %swap3A_80] {strides = array<i32>} : memref<128x16xf32, #tpu.memory_space<vmem>>, vector<1x16xf32>,
      %swap3A_82 = vector.shape_cast %swap3A_81 : vector<1x16xf32> to vector<16xf32>
      %swap3A_83 = vector.shape_cast %scan3A_78#0 : vector<16xf32> to vector<1x16xf32>
      tpu.vector_store %arg13[%swap3A, %swap3A_80], %swap3A_83 {strides = array<i32>} : memref<128x16xf32, #tpu.memory_space<vmem>>, vector<1x16xf32>,
      %swap3A_84 = arith.index_cast %scan3A_17 : i32 to index
      %swap3A_85 = arith.constant 0 : index
      %swap3A_86 = tpu.vector_load %arg14[%swap3A_84, %swap3A_85] {strides = array<i32>} : memref<128x16xi32, #tpu.memory_space<vmem>>, vector<1x16xi32>,
      %swap3A_87 = vector.shape_cast %swap3A_86 : vector<1x16xi32> to vector<16xi32>
      %swap3A_88 = vector.shape_cast %scan3A_78#1 : vector<16xi32> to vector<1x16xi32>
      tpu.vector_store %arg14[%swap3A_84, %swap3A_85], %swap3A_88 {strides = array<i32>} : memref<128x16xi32, #tpu.memory_space<vmem>>, vector<1x16xi32>,
      %scan3A_89 = arith.constant 0 : i32
      scf.yield %scan3A_89 : i32
    }
    %scan3A_16 = arith.constant 100 : i32
    "tpu.region"() ({
      %run_scoped3A = tpu.sem_alloc : memref<!tpu.dma_semaphore, #tpu.memory_space<semaphore_mem>>
      %dma_start3A = arith.constant 0 : i32
      %dma_start3A_17 = arith.constant 0 : i32
      %dma_start3A_18 = tpu.memref_slice %arg6[%add3A, %dma_start3A, %dma_start3A_17] : memref<32x128x16xf32, #tpu.memory_space<hbm>> -> memref<1x128x16xf32, #tpu.memory_space<hbm>>
      %dma_start3A_19 = tpu.memref_squeeze %dma_start3A_18 : memref<1x128x16xf32, #tpu.memory_space<hbm>> -> memref<128x16xf32, #tpu.memory_space<hbm>>
      %dma_start3A_20 = arith.constant 0 : i32
      %dma_start3A_21 = arith.constant 0 : i32
      %dma_start3A_22 = tpu.memref_slice %arg6[%add3A, %dma_start3A_20, %dma_start3A_21] : memref<32x128x16xf32, #tpu.memory_space<hbm>> -> memref<1x128x16xf32, #tpu.memory_space<hbm>>
      %dma_start3A_23 = tpu.memref_squeeze %dma_start3A_22 : memref<1x128x16xf32, #tpu.memory_space<hbm>> -> memref<128x16xf32, #tpu.memory_space<hbm>>
      tpu.enqueue_dma source(%arg13 : memref<128x16xf32, #tpu.memory_space<vmem>>) target(%dma_start3A_23 : memref<128x16xf32, #tpu.memory_space<hbm>>) target_semaphore(%run_scoped3A : memref<!tpu.dma_semaphore, #tpu.memory_space<semaphore_mem>>)
      %dma_wait3A = arith.constant 0 : i32
      %dma_wait3A_24 = arith.constant 0 : i32
      %dma_wait3A_25 = tpu.memref_slice %arg6[%add3A, %dma_wait3A, %dma_wait3A_24] : memref<32x128x16xf32, #tpu.memory_space<hbm>> -> memref<1x128x16xf32, #tpu.memory_space<hbm>>
      %dma_wait3A_26 = tpu.memref_squeeze %dma_wait3A_25 : memref<1x128x16xf32, #tpu.memory_space<hbm>> -> memref<128x16xf32, #tpu.memory_space<hbm>>
      %dma_wait3A_27 = arith.constant 0 : i32
      %dma_wait3A_28 = arith.constant 0 : i32
      %dma_wait3A_29 = tpu.memref_slice %arg6[%add3A, %dma_wait3A_27, %dma_wait3A_28] : memref<32x128x16xf32, #tpu.memory_space<hbm>> -> memref<1x128x16xf32, #tpu.memory_space<hbm>>
      %dma_wait3A_30 = tpu.memref_squeeze %dma_wait3A_29 : memref<1x128x16xf32, #tpu.memory_space<hbm>> -> memref<128x16xf32, #tpu.memory_space<hbm>>
      tpu.wait_dma2 semaphore(%run_scoped3A : memref<!tpu.dma_semaphore, #tpu.memory_space<semaphore_mem>>) src(%arg13 : memref<128x16xf32, #tpu.memory_space<vmem>>) dst(%dma_wait3A_30 : memref<128x16xf32, #tpu.memory_space<hbm>>)
      tpu.yield
    }) : () -> ()
    "tpu.region"() ({
      %run_scoped3A = tpu.sem_alloc : memref<!tpu.dma_semaphore, #tpu.memory_space<semaphore_mem>>
      %dma_start3A = arith.constant 0 : i32
      %dma_start3A_17 = arith.constant 0 : i32
      %dma_start3A_18 = tpu.memref_slice %arg7[%add3A, %dma_start3A, %dma_start3A_17] : memref<32x128x16xi32, #tpu.memory_space<hbm>> -> memref<1x128x16xi32, #tpu.memory_space<hbm>>
      %dma_start3A_19 = tpu.memref_squeeze %dma_start3A_18 : memref<1x128x16xi32, #tpu.memory_space<hbm>> -> memref<128x16xi32, #tpu.memory_space<hbm>>
      %dma_start3A_20 = arith.constant 0 : i32
      %dma_start3A_21 = arith.constant 0 : i32
      %dma_start3A_22 = tpu.memref_slice %arg7[%add3A, %dma_start3A_20, %dma_start3A_21] : memref<32x128x16xi32, #tpu.memory_space<hbm>> -> memref<1x128x16xi32, #tpu.memory_space<hbm>>
      %dma_start3A_23 = tpu.memref_squeeze %dma_start3A_22 : memref<1x128x16xi32, #tpu.memory_space<hbm>> -> memref<128x16xi32, #tpu.memory_space<hbm>>
      tpu.enqueue_dma source(%arg14 : memref<128x16xi32, #tpu.memory_space<vmem>>) target(%dma_start3A_23 : memref<128x16xi32, #tpu.memory_space<hbm>>) target_semaphore(%run_scoped3A : memref<!tpu.dma_semaphore, #tpu.memory_space<semaphore_mem>>)
      %dma_wait3A = arith.constant 0 : i32
      %dma_wait3A_24 = arith.constant 0 : i32
      %dma_wait3A_25 = tpu.memref_slice %arg7[%add3A, %dma_wait3A, %dma_wait3A_24] : memref<32x128x16xi32, #tpu.memory_space<hbm>> -> memref<1x128x16xi32, #tpu.memory_space<hbm>>
      %dma_wait3A_26 = tpu.memref_squeeze %dma_wait3A_25 : memref<1x128x16xi32, #tpu.memory_space<hbm>> -> memref<128x16xi32, #tpu.memory_space<hbm>>
      %dma_wait3A_27 = arith.constant 0 : i32
      %dma_wait3A_28 = arith.constant 0 : i32
      %dma_wait3A_29 = tpu.memref_slice %arg7[%add3A, %dma_wait3A_27, %dma_wait3A_28] : memref<32x128x16xi32, #tpu.memory_space<hbm>> -> memref<1x128x16xi32, #tpu.memory_space<hbm>>
      %dma_wait3A_30 = tpu.memref_squeeze %dma_wait3A_29 : memref<1x128x16xi32, #tpu.memory_space<hbm>> -> memref<128x16xi32, #tpu.memory_space<hbm>>
      tpu.wait_dma2 semaphore(%run_scoped3A : memref<!tpu.dma_semaphore, #tpu.memory_space<semaphore_mem>>) src(%arg14 : memref<128x16xi32, #tpu.memory_space<vmem>>) dst(%dma_wait3A_30 : memref<128x16xi32, #tpu.memory_space<hbm>>)
      tpu.yield
    }) : () -> ()
    "tpu.region"() ({
      %run_scoped3A = tpu.sem_alloc : memref<!tpu.dma_semaphore, #tpu.memory_space<semaphore_mem>>
      %dma_start3A = tpu.memref_slice %arg4[%mul3A_2] : memref<20480xf32, #tpu.memory_space<hbm>> -> memref<640xf32, #tpu.memory_space<hbm>>
      %dma_start3A_17 = tpu.memref_slice %arg4[%mul3A_2] : memref<20480xf32, #tpu.memory_space<hbm>> -> memref<640xf32, #tpu.memory_space<hbm>>
      tpu.enqueue_dma source(%arg11 : memref<640xf32, #tpu.memory_space<vmem>>) target(%dma_start3A_17 : memref<640xf32, #tpu.memory_space<hbm>>) target_semaphore(%run_scoped3A : memref<!tpu.dma_semaphore, #tpu.memory_space<semaphore_mem>>)
      %dma_wait3A = tpu.memref_slice %arg4[%mul3A_2] : memref<20480xf32, #tpu.memory_space<hbm>> -> memref<640xf32, #tpu.memory_space<hbm>>
      %dma_wait3A_18 = tpu.memref_slice %arg4[%mul3A_2] : memref<20480xf32, #tpu.memory_space<hbm>> -> memref<640xf32, #tpu.memory_space<hbm>>
      tpu.wait_dma2 semaphore(%run_scoped3A : memref<!tpu.dma_semaphore, #tpu.memory_space<semaphore_mem>>) src(%arg11 : memref<640xf32, #tpu.memory_space<vmem>>) dst(%dma_wait3A_18 : memref<640xf32, #tpu.memory_space<hbm>>)
      tpu.yield
    }) : () -> ()
    "tpu.region"() ({
      %run_scoped3A = tpu.sem_alloc : memref<!tpu.dma_semaphore, #tpu.memory_space<semaphore_mem>>
      %dma_start3A = tpu.memref_slice %arg5[%mul3A_2] : memref<20480xi32, #tpu.memory_space<hbm>> -> memref<640xi32, #tpu.memory_space<hbm>>
      %dma_start3A_17 = tpu.memref_slice %arg5[%mul3A_2] : memref<20480xi32, #tpu.memory_space<hbm>> -> memref<640xi32, #tpu.memory_space<hbm>>
      tpu.enqueue_dma source(%arg12 : memref<640xi32, #tpu.memory_space<vmem>>) target(%dma_start3A_17 : memref<640xi32, #tpu.memory_space<hbm>>) target_semaphore(%run_scoped3A : memref<!tpu.dma_semaphore, #tpu.memory_space<semaphore_mem>>)
      %dma_wait3A = tpu.memref_slice %arg5[%mul3A_2] : memref<20480xi32, #tpu.memory_space<hbm>> -> memref<640xi32, #tpu.memory_space<hbm>>
      %dma_wait3A_18 = tpu.memref_slice %arg5[%mul3A_2] : memref<20480xi32, #tpu.memory_space<hbm>> -> memref<640xi32, #tpu.memory_space<hbm>>
      tpu.wait_dma2 semaphore(%run_scoped3A : memref<!tpu.dma_semaphore, #tpu.memory_space<semaphore_mem>>) src(%arg12 : memref<640xi32, #tpu.memory_space<vmem>>) dst(%dma_wait3A_18 : memref<640xi32, #tpu.memory_space<hbm>>)
      tpu.yield
    }) : () -> ()
    return
  }
}

module attributes {stable_mosaic.version = 14 : i64} {
  func.func @_sig_body(%arg0: i32, %arg1: memref<91x4x4096xf32, #tpu.memory_space<vmem>>, %arg2: memref<91x4x4096xf32, #tpu.memory_space<vmem>>) attributes {dimension_semantics = [#tpu.dimension_semantics<arbitrary>], iteration_bounds = array<i64: 5>, scalar_prefetch = 0 : i64, scratch_operands = 0 : i64, tpu.core_type = #tpu.core_type<tc>, window_params = [{transform_indices = @transform_0, window_bounds = array<i64: 91, 4, 4096>}, {transform_indices = @transform_1, window_bounds = array<i64: 91, 4, 4096>}]} {
    %get3A = arith.constant 0 : index
    %get3A_0 = arith.constant 0 : index
    %get3A_1 = arith.constant 0 : index
    %get3A_2 = vector.load %arg1[%get3A, %get3A_0, %get3A_1] : memref<91x4x4096xf32, #tpu.memory_space<vmem>>, vector<91x4x4096xf32>
    %mul3A = arith.constant 5.000000e-01 : f32
    %mul3A_3 = vector.broadcast %mul3A : f32 to vector<91x4x4096xf32>
    %mul3A_4 = arith.mulf %mul3A_3, %get3A_2 : vector<91x4x4096xf32>
    %tanh3A = math.tanh %mul3A_4 : vector<91x4x4096xf32>
    %mul3A_5 = arith.constant 5.000000e-01 : f32
    %mul3A_6 = vector.broadcast %mul3A_5 : f32 to vector<91x4x4096xf32>
    %mul3A_7 = arith.mulf %mul3A_6, %tanh3A : vector<91x4x4096xf32>
    %add3A = arith.constant 5.000000e-01 : f32
    %add3A_8 = vector.broadcast %add3A : f32 to vector<91x4x4096xf32>
    %add3A_9 = arith.addf %mul3A_7, %add3A_8 : vector<91x4x4096xf32>
    %swap3A = arith.constant 0 : index
    %swap3A_10 = arith.constant 0 : index
    %swap3A_11 = arith.constant 0 : index
    %swap3A_12 = vector.load %arg2[%swap3A, %swap3A_10, %swap3A_11] : memref<91x4x4096xf32, #tpu.memory_space<vmem>>, vector<91x4x4096xf32>
    tpu.vector_store %arg2[%swap3A, %swap3A_10, %swap3A_11], %add3A_9 {strides = array<i32>} : memref<91x4x4096xf32, #tpu.memory_space<vmem>>, vector<91x4x4096xf32>,
    return
  }
  func.func @transform_0(%arg0: i32) -> (i32, i32, i32) {
    %c0_i32 = arith.constant 0 : i32
    %c0_i32_0 = arith.constant 0 : i32
    %c0_i32_1 = arith.constant 0 : i32
    return %c0_i32, %c0_i32_0, %arg0 : i32, i32, i32
  }
  func.func @transform_1(%arg0: i32) -> (i32, i32, i32) {
    %c0_i32 = arith.constant 0 : i32
    %c0_i32_0 = arith.constant 0 : i32
    %c0_i32_1 = arith.constant 0 : i32
    return %c0_i32, %c0_i32_0, %arg0 : i32, i32, i32
  }
}

module attributes {stable_mosaic.version = 14 : i64} {
  func.func @_merge_body(%arg0: memref<512x128xf32, #tpu.memory_space<vmem>>, %arg1: memref<512x128xi32, #tpu.memory_space<vmem>>, %arg2: memref<1x20480xf32, #tpu.memory_space<vmem>>, %arg3: memref<1x20480xi32, #tpu.memory_space<vmem>>, %arg4: memref<1x20480xf32, #tpu.memory_space<vmem>>, %arg5: memref<1x20480xi32, #tpu.memory_space<vmem>>) attributes {dimension_semantics = [], scalar_prefetch = 0 : i64, scratch_operands = 0 : i64, tpu.core_type = #tpu.core_type<tc>} {
    %get3A = arith.constant 0 : index
    %get3A_0 = arith.constant 0 : index
    %get3A_1 = vector.load %arg0[%get3A, %get3A_0] : memref<512x128xf32, #tpu.memory_space<vmem>>, vector<512x128xf32>
    %get3A_2 = arith.constant 0 : index
    %get3A_3 = arith.constant 0 : index
    %get3A_4 = vector.load %arg1[%get3A_2, %get3A_3] : memref<512x128xi32, #tpu.memory_space<vmem>>, vector<512x128xi32>
    %reduce_max3A = arith.constant dense<0xFF800000> : vector<128xf32>
    %reduce_max3A_5 = vector.multi_reduction <maximumf>, %get3A_1, %reduce_max3A [0] : vector<512x128xf32> to vector<128xf32>
    %broadcast_in_dim3A = vector.shape_cast %reduce_max3A_5 : vector<128xf32> to vector<1x128xf32>
    %eq3A = vector.broadcast %broadcast_in_dim3A : vector<1x128xf32> to vector<512x128xf32>
    %eq3A_6 = arith.cmpf oeq, %get3A_1, %eq3A : vector<512x128xf32>
    %jit3A = arith.constant 1073741824 : i32
    %broadcast_in_dim3A_7 = vector.broadcast %jit3A : i32 to vector<512x128xi32>
    %select_n3A = arith.select %eq3A_6, %get3A_4, %broadcast_in_dim3A_7 : vector<512x128xi1>, vector<512x128xi32>
    %reduce_min3A = arith.constant dense<2147483647> : vector<128xi32>
    %reduce_min3A_8 = vector.multi_reduction <minsi>, %select_n3A, %reduce_min3A [0] : vector<512x128xi32> to vector<128xi32>
    %broadcast_in_dim3A_9 = vector.shape_cast %reduce_min3A_8 : vector<128xi32> to vector<1x128xi32>
    %reshape3A = vector.shape_cast %broadcast_in_dim3A_9 : vector<1x128xi32> to vector<128x1xi32>
    %iota3A = tpu.iota {dimensions = array<i32: 1>} : vector<128x20480xi32>
    %iota3A_10 = tpu.iota {dimensions = array<i32: 0>} : vector<128x20480xi32>
    %eq3A_11 = vector.broadcast %reshape3A : vector<128x1xi32> to vector<128x20480xi32>
    %eq3A_12 = arith.cmpi eq, %iota3A, %eq3A_11 : vector<128x20480xi32>
    %lt3A = arith.constant 100 : i32
    %lt3A_13 = vector.broadcast %lt3A : i32 to vector<128x20480xi32>
    %lt3A_14 = arith.cmpi slt, %iota3A_10, %lt3A_13 : vector<128x20480xi32>
    %and3A = arith.andi %eq3A_12, %lt3A_14 : vector<128x20480xi1>
    %jit3A_15 = arith.constant -1 : i32
    %broadcast_in_dim3A_16 = vector.broadcast %jit3A_15 : i32 to vector<128x20480xi32>
    %select_n3A_17 = arith.select %and3A, %iota3A_10, %broadcast_in_dim3A_16 : vector<128x20480xi1>, vector<128x20480xi32>
    %reduce_max3A_18 = arith.constant dense<-2147483648> : vector<20480xi32>
    %reduce_max3A_19 = vector.multi_reduction <maxsi>, %select_n3A_17, %reduce_max3A_18 [0] : vector<128x20480xi32> to vector<20480xi32>
    %broadcast_in_dim3A_20 = vector.shape_cast %reduce_max3A_19 : vector<20480xi32> to vector<1x20480xi32>
    %ge3A = arith.constant 0 : i32
    %ge3A_21 = vector.broadcast %ge3A : i32 to vector<1x20480xi32>
    %ge3A_22 = arith.cmpi sge, %broadcast_in_dim3A_20, %ge3A_21 : vector<1x20480xi32>
    %get3A_23 = arith.constant 0 : index
    %get3A_24 = arith.constant 0 : index
    %get3A_25 = vector.load %arg3[%get3A_23, %get3A_24] : memref<1x20480xi32, #tpu.memory_space<vmem>>, vector<1x20480xi32>
    %select_n3A_26 = arith.select %ge3A_22, %broadcast_in_dim3A_20, %get3A_25 : vector<1x20480xi1>, vector<1x20480xi32>
    %swap3A = arith.constant 0 : index
    %swap3A_27 = arith.constant 0 : index
    %swap3A_28 = vector.load %arg5[%swap3A, %swap3A_27] : memref<1x20480xi32, #tpu.memory_space<vmem>>, vector<1x20480xi32>
    tpu.vector_store %arg5[%swap3A, %swap3A_27], %select_n3A_26 {strides = array<i32>} : memref<1x20480xi32, #tpu.memory_space<vmem>>, vector<1x20480xi32>,
    %get3A_29 = arith.constant 0 : index
    %get3A_30 = arith.constant 0 : index
    %get3A_31 = vector.load %arg2[%get3A_29, %get3A_30] : memref<1x20480xf32, #tpu.memory_space<vmem>>, vector<1x20480xf32>
    %jit3A_32 = arith.constant 1.000000e+00 : f32
    %broadcast_in_dim3A_33 = vector.broadcast %jit3A_32 : f32 to vector<1x20480xf32>
    %select_n3A_34 = arith.select %ge3A_22, %broadcast_in_dim3A_33, %get3A_31 : vector<1x20480xi1>, vector<1x20480xf32>
    %swap3A_35 = arith.constant 0 : index
    %swap3A_36 = arith.constant 0 : index
    %swap3A_37 = vector.load %arg4[%swap3A_35, %swap3A_36] : memref<1x20480xf32, #tpu.memory_space<vmem>>, vector<1x20480xf32>
    tpu.vector_store %arg4[%swap3A_35, %swap3A_36], %select_n3A_34 {strides = array<i32>} : memref<1x20480xf32, #tpu.memory_space<vmem>>, vector<1x20480xf32>,
    return
  }
}

</mosaic_0001>

<sc_bundles>
// kernel: kernel.5.cloned.1.call-start
scs
__scs_entry_jumppad:
0x0: {  	(pc) =	sbr.rel $0x88, $3  }
0x1: {  	(tag) =	ssettag $0x0;
	lr =	simm.s32 $0x1  }
0x2: {  	[smem:$0x3F9E] =	sst lr;
	_ =	strace $0xD0000000  }
0x3: {  	_ = 	snop  }
0x4: {  	_ = 	snop  }
0x5: {  	_ = 	snop  }
0x6: {  	_ = 	snop  }
0x7: {  	_ = 	snop  }
__scs_overlays_trampoline_lowered:
0x8: {  	[smem:$0x3FAD] =	sst s0  }
0x9: {  	[smem:$0x3FAE] =	sst s1  }
0xa: {  	[smem:$0x3FAF] =	sst s2  }
0xb: {  	[smem:$0x3FB0] =	sst s3  }
0xc: {  	[smem:$0x3FB1] =	sst s4  }
0xd: {  	[smem:$0x3FB2] =	sst s5  }
0xe: {  	[smem:$0x3FB3] =	sst s6  }
0xf: {  	[smem:$0x3FB4] =	sst s7  }
0x10: {  	[smem:$0x3FB5] =	sst s8  }
0x11: {  	[smem:$0x3FB6] =	sst s9;
	s0 =	simm.s32 @!p0 $0x0  }
0x12: {  	s1 =	sld [smem:$0x3F9C];
	s0 =	simm.s32 @p0 $0x1  }
0x13: {  	[smem:$0x3FB7] =	sst s0;
	s0 =	simm.s32 @!p1 $0x0  }
0x14: {  	s2 =	sld [smem:$0x3F9B];
	s0 =	simm.s32 @p1 $0x1  }
0x15: {  	[smem:$0x3FB8] =	sst s0;
	s0 =	simm.s32 @!p2 $0x0  }
0x16: {  	s3 =	sld [smem:$0x3FDB];
	s0 =	simm.s32 @p2 $0x1  }
0x17: {  	s4 =	simm.s32 $0x1BF5;
	[smem:$0x3FBA] =	sst s0  }
0x18: {  	s0 =	sld [smem:$0x3F9D];
	_ =	swait.ge [sflag:s4], $0x0  }
0x19: {  	s7 =	sld [smem:$0x3F9E]  }
0x1a: {  	s8 =	sadd.s32 $0xFFFFE003, lr  }
0x1b: {  	s9 =	sadd.s32 $0xFFFFFEF7, lr;
	s5 =	simm.s32 $0xFFFFFFFF;
	p2 =	slt.u32 s8, $0xFFFFF086  }
0x1c: {  	p1 =	slt.u32 s9, $0xF7A;
	s5 =	simm.s32 @!p2 $0x0  }
0x1d: {  	s5 =	simm.s32 @p1 $0x1;
	p0 =	seq.s32 s7, s2  }
0x1e: {  	s7 =	smul.u32 @!p0 $0xF7A, s2;
	p2 =	seq.s32 @!p0 s5, $0x0  }
0x1f: {  	s9 =	smul.u32 $0xF7A, s1;
	s8 =	simm.s32 @!p0 $0x1BF5;
	p2 =	por !p2, p0  }
0x20: {  	[sflag:s8] =	ssyncset.s32 @!p0 $0xFFFFF086;
	s6 =	sadd.s32 @!p0 s3, s7;
	s7 =	simm.s32 @!p0 $0x108  }
0x21: {  	s3 =	sadd.s32 s3, s9;
	s6 =	sadd.s32 @!p0 $0x88, s6;
	s7 =	simm.s32 @p2 $0x1082  }
0x22: {  	[simem:s7], [sflag:s8] =	dma.local @!p0 [hbm:s6], $0xF7A  }
0x23: {  	s9 =	sor.u32 $0xD0000000, s2;
	s6 =	simm.s32 $0x108;
	_ =	swait.ge @!p0 [sflag:s8], $0x0  }
0x24: {  	s3 =	sadd.s32 $0x88, s3;
	s6 =	simm.s32 @!p1 $0x1082;
	[sflag:s4] =	ssyncset.s32 $0xFFFFF086  }
0x25: {  	[simem:s6], [sflag:s4] =	dma.local [hbm:s3], $0xF7A  }
0x26: {  	[smem:$0x3F9E] =	sst s1;
	(tag) =	ssettag s2;
	_ =	strace s9  }
0x27: {  	s1 =	sld [smem:$0x3FAE]  }
0x28: {  	s2 =	sld [smem:$0x3FAF]  }
0x29: {  	s4 =	sld [smem:$0x3FB1]  }
0x2a: {  	p0 =	seq.s32 s5, $0x0;
	s5 =	sld [smem:$0x3FB2]  }
0x2b: {  	s6 =	sld [smem:$0x3FB3]  }
0x2c: {  	s7 =	sld [smem:$0x3FB4]  }
0x2d: {  	s3 =	simm.s32 $0x108;
	s8 =	sld [smem:$0x3FB5]  }
0x2e: {  	s3 =	simm.s32 @!p0 $0x1082;
	s9 =	sld [smem:$0x3FB6]  }
0x2f: {  	lr =	sadd.s32 s0, s3;
	s0 =	sld [smem:$0x3FAD]  }
0x30: {  	s3 =	sld [smem:$0x3FB0]  }
0x31: {  	[smem:$0x3FB9] =	sst s10  }
0x32: {  	s10 =	sld [smem:$0x3FB7];
	_ =	sdelay $0x3  }
0x33: {  	p0 =	seq.s32 s10, $0x1;
	s10 =	sld [smem:$0x3FB9];
	_ =	sdelay $0x3  }
0x34: {  	[smem:$0x3FB9] =	sst s10  }
0x35: {  	s10 =	sld [smem:$0x3FB8];
	_ =	sdelay $0x3  }
0x36: {  	p1 =	seq.s32 s10, $0x1;
	s10 =	sld [smem:$0x3FB9];
	_ =	sdelay $0x3  }
0x37: {  	[smem:$0x3FB9] =	sst s10  }
0x38: {  	s10 =	sld [smem:$0x3FBA]  }
0x39: {  	_ = 	snop;
	(pc) =	sbr.ind lr, $3  }
0x3a: {  	_ = 	snop  }
0x3b: {  	_ = 	snop  }
0x3c: {  	p2 =	seq.s32 s10, $0x1;
	s10 =	sld [smem:$0x3FB9]  }
0x3d: {  	_ =	shalt  }
0x3e: {  	_ =	shalt  }
0x3f: {  	_ =	shalt  }
0x40: {  	_ =	shalt  }
0x41: {  	_ =	shalt  }
0x42: {  	_ =	shalt  }
0x43: {  	_ =	shalt  }
0x44: {  	_ =	shalt  }
0x45: {  	_ =	shalt  }
0x46: {  	_ =	shalt  }
0x47: {  	_ =	shalt  }
0x48: {  	_ =	shalt  }
0x49: {  	_ =	shalt  }
0x4a: {  	_ =	shalt  }
0x4b: {  	_ =	shalt  }
0x4c: {  	_ =	shalt  }
0x4d: {  	_ =	shalt  }
0x4e: {  	_ =	shalt  }
0x4f: {  	_ =	shalt  }
0x50: {  	_ =	shalt  }
0x51: {  	_ =	shalt  }
0x52: {  	_ =	shalt  }
0x53: {  	_ =	shalt  }
0x54: {  	_ =	shalt  }
0x55: {  	_ =	shalt  }
0x56: {  	_ =	shalt  }
0x57: {  	_ =	shalt  }
0x58: {  	_ =	shalt  }
0x59: {  	_ =	shalt  }
0x5a: {  	_ =	shalt  }
0x5b: {  	_ =	shalt  }
0x5c: {  	_ =	shalt  }
0x5d: {  	_ =	shalt  }
0x5e: {  	_ =	shalt  }
0x5f: {  	_ =	shalt  }
0x60: {  	_ =	shalt  }
0x61: {  	_ =	shalt  }
0x62: {  	_ =	shalt  }
0x63: {  	_ =	shalt  }
0x64: {  	_ =	shalt  }
0x65: {  	_ =	shalt  }
0x66: {  	_ =	shalt  }
0x67: {  	_ =	shalt  }
0x68: {  	_ =	shalt  }
0x69: {  	_ =	shalt  }
0x6a: {  	_ =	shalt  }
0x6b: {  	_ =	shalt  }
0x6c: {  	_ =	shalt  }
0x6d: {  	_ =	shalt  }
0x6e: {  	_ =	shalt  }
0x6f: {  	_ =	shalt  }
0x70: {  	_ =	shalt  }
0x71: {  	_ =	shalt  }
0x72: {  	_ =	shalt  }
0x73: {  	_ =	shalt  }
0x74: {  	_ =	shalt  }
0x75: {  	_ =	shalt  }
0x76: {  	_ =	shalt  }
0x77: {  	_ =	shalt  }
0x78: {  	_ =	shalt  }
0x79: {  	_ =	shalt  }
0x7a: {  	_ =	shalt  }
0x7b: {  	_ =	shalt  }
0x7c: {  	_ =	shalt  }
0x7d: {  	_ =	shalt  }
0x7e: {  	_ =	shalt  }
0x7f: {  	_ =	shalt  }
0x80: {  	_ =	shalt  }
0x81: {  	_ =	shalt  }
0x82: {  	_ =	shalt  }
0x83: {  	_ =	shalt  }
0x84: {  	_ =	shalt  }
0x85: {  	_ =	shalt  }
0x86: {  	_ =	shalt  }
0x87: {  	_ =	shalt  }
.Lfunc_end0:
.L_simem_size_0:
called_computation_lowered:
.L_overlay_start_0:
0x88: {  	s2 =	sld [smem:$0x3FD9]  }
0x89: {  	s3 =	sld [smem:$0x3FFE];
	_ =	sdelay $0x1  }
0x8a: {  	s1 =	srdreg.scid  }
0x8b: {  	s0 =	sand.u32 $0x1, s1  }
0x8c: {  	s14 =	sshll.u32 s0, $0xA;
	s2 =	sadd.s32 s3, s2  }
0x8d: {  	s2 =	sadd.s32 s2, s14  }
0x8e: {  	[smem:$0x3FC5] =	sst s2  }
0x8f: {  	_ = 	snop  }
0x90: {  	s2 =	sld [smem:$0x3FD0];
	_ =	sdelay $0x2  }
0x91: {  	s15 =	simm.s32 $0xA;
	s4 =	simm.s32 $0x10  }
0x92: {  	[smem:s4], [sflag:s15] =	dma.local [hbm:s2], $0x1  }
0x93: {  	_ =	swait.eq [sflag:s15], $0x1  }
0x94: {  	[sflag:s15] =	ssyncset.done $0x0  }
0x95: {  	s16 =	sld [smem:$0x10];
	[sflag:s15] =	ssyncadd.s32 $0xFFFFFFFF  }
0x96: {  	s17 =	sld [smem:$0x11];
	(tm) =	ssettm $0x1  }
0x97: {  	s18 =	sld [smem:$0x3FFB];
	_ =	sdelay $0x3  }
0x98: {  	_ =	strace s18  }
0x99: {  	s4 =	sld [smem:$0x3FFC];
	_ =	sdelay $0x3  }
0x9a: {  	_ =	strace s4  }
0x9b: {  	s4 =	sld [smem:$0x3FFD];
	_ =	sdelay $0x3  }
0x9c: {  	_ =	strace s4  }
0x9d: {  	_ =	strace $0x8FFFFFFF  }
0x9e: {  	s19 =	sld [smem:$0x3FDB];
	_ =	sdelay $0x1  }
0x9f: {  	s5 =	simm.s32 $_scs_section_size  }
0xa0: {  	s6 =	simm.s32 $_size__tile_overlayer_lowered;
	s7 =	simm.s32 $_tile_overlayer_lowered  }
0xa1: {  	s22 =	simm.s32 $0x1BFF;
	s21 =	sshll.u32 s7, $0x1;
	s4 =	sadd.s32 s5, s19  }
0xa2: {  	s8 =	simm.s32 $0x0;
	s20 =	sshll.u32 s6, $0x1;
	s6 =	sadd.s32 s21, s4  }
0xa3: {  	[timem:s8], [sflag:s22] =	dma.local [hbm:s6], s20  }
0xa4: {  	_ =	swait.ge [sflag:s22], s20  }
0xa5: {  	s5 =	ssub.s32 $0x0, s20;
	[sflag:s22] =	ssyncset.done $0x0  }
0xa6: {  	[sflag:s22] =	ssyncadd.s32 s5;
	_ =	sdelay $0x1  }
0xa7: {  	s23 =	simm.s32 $0x1B8B  }
0xa8: {  	_ =	swait.ge [sflag:s23], $0x1  }
0xa9: {  	[sflag:s23] =	ssyncset.done $0x0  }
0xaa: {  	s25 =	simm.s32 $0x1B8E;
	s24 =	sld [smem:$0x3FFE];
	[sflag:s23] =	ssyncadd.s32 $0xFFFFFFFF  }
0xab: {  	s26 =	simm.s32 $execute0_lowered;
	[smem:$0x3FD2] =	sst s25  }
0xac: {  	s6 =	sshll.u32 s26, $0x1;
	_ =	strace $0x80000046;
	[dreg:$0x1] =	wrdreg $0xFFFFFFFF  }
0xad: {  	s28 =	simm.s32 $_size_execute0_lowered;
	s4 =	sadd.s32 s4, s6;
	[dreg:$0x0] =	wrdreg $0x0  }
0xae: {  	s6 =	sshll.u32 s28, $0x1;
	[dreg:$0x2] =	wrdreg s4  }
0xaf: {  	[dreg:$0x3] =	wrdreg s6  }
0xb0: {  	[dreg:$0x4] =	wrdreg $0xC0  }
0xb1: {  	_ =	task [dreg:s8], $0x5FFFF  }
0xb2: {  	[dreg:$0x1] =	wrdreg $0xFFFFFFFF  }
0xb3: {  	[dreg:$0x0] =	wrdreg $0x60  }
0xb4: {  	[dreg:$0x2] =	wrdreg s24  }
0xb5: {  	[dreg:$0x3] =	wrdreg s17  }
0xb6: {  	[dreg:$0x4] =	wrdreg s16  }
0xb7: {  	[dreg:$0x5] =	wrdreg $0x9  }
0xb8: {  	_ =	task.clear_ibuf [dreg:s8], $0x6FFFF;
	_ =	strace $0x90000046  }
0xb9: {  	s29 =	simm.s32 $0x9;
	_ =	strace $0x80000048  }
0xba: {  	_ =	swait.ge [sflag:s29], $0x1  }
0xbb: {  	[sflag:s29] =	ssyncadd.s32 $0xFFFFFFFF  }
0xbc: {  	_ =	strace $0x90000048  }
0xbd: {  	_ =	sfence  }
0xbe: {  	s30 =	sld [smem:$0x0];
	_ =	sdelay $0x2  }
0xbf: {  	s31 =	sshll.u32 s1, $0xD;
	s1 =	sshrl.u32 s1, $0x2  }
0xc0: {  	s3 =	sand.u32 $0x4000, s31;
	s1 =	sadd.s32 s1, s30  }
0xc1: {  	s0 =	sor.u32 s3, s0;
	s1 =	sshll.u32 s1, $0x11  }
0xc2: {  	s0 =	sor.u32 s1, s0  }
0xc3: {  	s0 =	sadd.s32 $0x8F2B, s0  }
0xc4: {  	[sflag:s0] =	ssyncadd.remote.s32 $0x1  }
0xc5: {  	_ =	sfence.sel $0xFFFF  }
0xc6: {  	[dreg:$0x0] =	wrdreg $0xFFFFFFFF;
	(pc) =	sbr.abs _section_cstart, $3  }
0xc7: {  	[dreg:$0x1] =	wrdreg $0xFFFFFFFF  }
0xc8: {  	_ =	task.clear_ibuf [dreg:s8], $0x2FFFF;
	_ =	strace $0x9FFFFFFF  }
0xc9: {  	(tm) =	ssettm $0x7FFFFFFF  }
tec
execute0_lowered:
.L_overlay_start_1:
0x0: {  	(tag) =	ssettag $0x1  }
0x1: {  	s4 =	rddreg [dreg:$0x0]  }
0x2: {  	s1 =	srdreg.scid;
	s7 =	rddreg [dreg:$0x1]  }
0x3: {  	s0 =	stileid.u32;
	s8 =	rddreg [dreg:$0x2]  }
0x4: {  	s2 =	simm.s32 $0x0;
	s14 =	simm.s32 $0x6500;
	s15 =	simm.s32 $0x2000  }
0x5: {  	s16 =	simm.s32 $0x2280;
	s17 =	simm.s32 $0x0;
	s6 =	sand.u32 $0x1, s1  }
0x6: {  	s28 =	sshll.u32 s0, $0x1;
	s1 =	rddreg [dreg:$0x3];
	s13 =	smul.u32 $0x500, s0  }
0x7: {  	[smem:$0x7FF] =	sst s2;
	s5 =	sor.u32 s6, s28;
	s31 =	smul.u32 $0x280, s6  }
0x8: {  	_ =	strace $0x80000047;
	s11 =	ssub.s32 $0x2, s6;
	s3 =	smul.u32 $0x140, s5  }
0x9: {  	s10 =	sshll.u32 s5, $0xB;
	s29 =	sshrl.u32 s11, $0x1;
	s12 =	smul.u32 $0x280, s5  }
0xa: {  	s10 =	sadd.s32 s10, s4;
	s11 =	ssub.s32 s11, s29;
	s9 =	sadd.s32 s3, s4  }
0xb: {  	s3 =	sadd.s32 $0x600, s4;
	s5 =	sadd.s32 $0x3000, s10;
	s30 =	sshrl.u32 s12, $0x3  }
0xc: {  	s6 =	sadd.s32 $0x13000, s10;
	s10 =	sadd.s32 s31, s13;
	s12 =	simm.s32 $0xA00  }
0xd: {  	s13 =	simm.s32 $0x2500;
	s4 =	sadd.s32 $0x800, s9;
	s7 =	sadd.s32 s7, s30  }
0xe: {  	v0 =	vimm.f32 $-3.000000010e+38;
	v1 =	vimm.s32 $0x0;
	v2 =	vlaneseq.u32;
	s8 =	sadd.s32 s8, s30;
	s9 =	smax.u32 s11, $0x1;
	s11 =	simm.s32 $0x1  }
.LBB2_1:
0xf: {  	[tilespmem:s2], [sflag:$0x1] =	stream.linear.gather [hbm4b:s4+s2], $0xA00, $0x38;
	[tilespmem:$0xA500] =	vst v63  }
0x10: {  	_ =	swait.ge [sflag:s11], $0xA00  }
0x11: {  	[sflag:s11] =	ssyncset.done $0x0  }
0x12: {  	[sflag:s11] =	ssyncadd.s32 $0xFFFFF600  }
0x13: {  	[tilespmem:s12], [sflag:$0x1] =	stream.linear.gather [hbm4b:s3+s2], $0x200, $0x38;
	[tilespmem:$0xA500] =	vst v63  }
0x14: {  	s18 =	simm.s32 $0x0;
	_ =	swait.ge [sflag:s11], $0x200  }
0x15: {  	s19 =	sand.u32 $0x70, s2;
	s18 =	sand.u32 $0x3FFFFE00, s18;
	[sflag:s11] =	ssyncset.done $0x0  }
0x16: {  	s18 =	sor.u32 s19, s18;
	[sflag:s11] =	ssyncadd.s32 $0xFFFFFE00  }
0x17: {  	v3 =	vld [tilespmem:s18+$0x100]  }
0x18: {  	v4 =	vld [tilespmem:s18+$0x180]  }
0x19: {  	v5 =	vld [tilespmem:s18+$0x0];
	_ =	sdelay $0x2  }
0x1a: {  	s31 =	simm.s32 $0x0;
	v6 =	vld [tilespmem:s18+$0x80];
	v7 =	vmul.f32 $5.000000000e-01, v3  }
0x1b: {  	s18 =	sand.u32 $0x3FFFFC00, s31;
	v3 =	vmul.f32 v4, v3  }
0x1c: {  	s25 =	sor.u32 s19, s18;
	v8 =	vsub.f32 v5, v7  }
0x1d: {  	v9 =	vmul.f32 $5.000000000e-01, v4;
	v5 =	vadd.f32 v7, v5;
	[tilespmem:s25+$0xE00] =	vst v3  }
0x1e: {  	s20 =	simm.s32 $0x2000;
	s21 =	simm.s32 $0x2280;
	s24 =	simm.s32 $0x0;
	[tilespmem:s25+$0xC00] =	vst v8  }
0x1f: {  	s22 =	simm.s32 $0x2000;
	s23 =	simm.s32 $0x2280;
	s19 =	simm.s32 $0x1;
	v4 =	vsub.f32 v6, v9;
	v3 =	vadd.f32 v9, v6;
	[tilespmem:s25+$0xD00] =	vst v5  }
.LBB2_2:
0x20: {  	s20 =	sadd.s32 $0x10, s20  }
0x21: {  	[tilespmem:s25+$0xC80] =	vst v4;
	s21 =	sadd.s32 $0x10, s21;
	s24 =	sadd.s32 $0x10, s24;
	s18 =	smov.u32 s19  }
0x22: {  	p0 =	sne.s32 s19, $0x27;
	s19 =	sadd.s32 $0x1, s19;
	s26 =	sshll.u32 s18, $0x6;
	[tilespmem:s25+$0xD80] =	vst v3  }
0x23: {  	s25 =	sand.u32 $0x70, s24;
	s26 =	sand.u32 $0x3FFFFE00, s26;
	[tilespmem:s22+$0x0] =	vst v0;
	s22 =	smov.u32 s20  }
0x24: {  	s26 =	sor.u32 s25, s26;
	[tilespmem:s23+$0x0] =	vst v1;
	s23 =	smov.u32 s21  }
0x25: {  	v3 =	vld [tilespmem:s26+$0x100]  }
0x26: {  	v4 =	vld [tilespmem:s26+$0x180]  }
0x27: {  	v5 =	vld [tilespmem:s26+$0x0]  }
0x28: {  	v6 =	vld [tilespmem:s26+$0x80];
	_ =	sdelay $0x1  }
0x29: {  	s18 =	sshll.u32 s18, $0x7;
	v7 =	vmul.f32 $5.000000000e-01, v3  }
.Ltmp0:
0x2a: {  	s18 =	sand.u32 $0x3FFFFC00, s18;
	v8 =	vmul.f32 $5.000000000e-01, v4;
	v9 =	vmul.f32 v4, v3;
	(pc) =	sbr.rel @p0 .LBB2_2-.Ltmp0, $4  }
0x2b: {  	s25 =	sor.u32 s25, s18;
	v10 =	vsub.f32 v5, v7;
	v5 =	vadd.f32 v7, v5  }
0x2c: {  	v4 =	vsub.f32 v6, v8;
	v3 =	vadd.f32 v8, v6;
	[tilespmem:s25+$0xE00] =	vst v9  }
0x2d: {  	[tilespmem:s25+$0xC00] =	vst v10  }
0x2e: {  	s18 =	simm.s32 $0x0;
	[tilespmem:s25+$0xD00] =	vst v5  }
0x2f: {  	[tilespmem:s25+$0xC80] =	vst v4  }
0x30: {  	[tilespmem:s25+$0xD80] =	vst v3  }
0x31: {  	[tilespmem:s22+$0x0] =	vst v0  }
0x32: {  	s19 =	simm.s32 $0x0;
	[tilespmem:s23+$0x0] =	vst v1  }
.LBB2_4:
0x33: {  	s20 =	sand.u32 $0x70, s19  }
0x34: {  	v3 =	vld [tilespmem:s20+$0xB00]  }
0x35: {  	v4 =	vld [tilespmem:s20+$0xB80]  }
0x36: {  	s21 =	sand.u32 $0x70, s18;
	s22 =	sand.u32 $0x1C00, s18;
	v5 =	vld [tilespmem:s20+$0xA00]  }
0x37: {  	s23 =	sand.u32 $0xF, s19;
	v6 =	vld [tilespmem:s20+$0xA80];
	s30 =	sor.u32 s21, s22  }
0x38: {  	v7 =	vmov s23;
	v8 =	vld [tilespmem:s30+$0xD00]  }
0x39: {  	v10 =	vld [tilespmem:s30+$0xC80];
	v9 =	vperm.xlane v3, v7  }
0x3a: {  	v12 =	vld [tilespmem:s30+$0xD80];
	v11 =	vperm.xlane v4, v7  }
0x3b: {  	v13 =	vld [tilespmem:s30+$0xC00];
	v4 =	vperm.xlane v5, v7;
	v5 =	vmul.f32 $5.000000000e-01, v9  }
0x3c: {  	v6 =	vperm.xlane v6, v7;
	v7 =	vmul.f32 $5.000000000e-01, v11  }
0x3d: {  	v3 =	vsub.f32 v4, v5;
	v4 =	vadd.f32 v5, v4  }
0x3e: {  	v5 =	vsub.f32 v6, v7;
	v6 =	vadd.f32 v7, v6  }
0x3f: {  	v7 =	vmul.f32 v11, v9;
	v9 =	vld [tilespmem:s30+$0xE00];
	v11 =	vmin.f32 v4, v8;
	v8 =	vmax.f32 v4, v8  }
0x40: {  	v14 =	vmin.f32 v6, v12;
	v15 =	vmax.f32 v5, v10;
	v16 =	vmax.f32 v3, v13  }
0x41: {  	v13 =	vmin.f32 v3, v13;
	v14 =	vsub.f32 v14, v15;
	v11 =	vsub.f32 v11, v16  }
0x42: {  	v12 =	vmax.f32 v6, v12;
	v10 =	vmin.f32 v5, v10;
	v8 =	vsub.f32 v8, v13  }
0x43: {  	v10 =	vsub.f32 v12, v10;
	v61 =	vmax.f32 v14, $0.0e+00;
	v11 =	vmax.f32 v11, $0.0e+00  }
0x44: {  	v9 =	vadd.f32 v9, v7;
	v11 =	vmul.f32 v61, v11  }
0x45: {  	v8 =	vmul.f32 v10, v8  }
0x46: {  	v9 =	vsub.f32 v9, v11  }
0x47: {  	(erf) = vrcp.f32 v8  }
0x48: {  	(erf) = vrcp.f32 v9;
	_ =	sdelay $0x7  }
0x49: {  	v8 =	vsub.f32 v8, v9;
	v9 =	vpop (erf)  }
0x4a: {  	s20 =	simm.s32 $0x2000;
	v10 =	vpop (erf)  }
0x4b: {  	v8 =	vmul.f32 v8, v9;
	v9 =	vld [tilespmem:s20+$0x0];
	v10 =	vmul.f32 v10, v11  }
0x4c: {  	s31 =	sadd.s32 $0x0, s10  }
0x4d: {  	v8 =	vsub.f32 v10, v8;
	v10 =	vmov s31  }
0x4e: {  	vm0 =	vlt.u32 v10, $0x4E20  }
0x4f: {  	v8 =	vnsel vm0, $0xFF61B1E6, v8  }
0x50: {  	vm0 =	vgt.f32 v8, v9  }
0x51: {  	v11 =	vimm.f32 $-3.000000010e+38;
	v9 =	vsel vm0, v8, v9  }
0x52: {  	v62 =	vimm.s32 $0x0;
	s21 =	simm.s32 $0x2280;
	v63 =	vor.u32 s31, v2;
	vm1 =	vgt.f32 v8, v11;
	[tilespmem:s20+$0x0] =	vst v9  }
0x53: {  	s24 =	simm.s32 $0x0;
	s22 =	simm.s32 $0x10;
	s23 =	simm.s32 $0x2280;
	v10 =	vmov s19;
	v9 =	vsel vm1, v8, v11;
	v8 =	vsel vm1, v63, v62;
	v11 =	vld [tilespmem:s21+$0x0]  }
.LBB2_5:
0x54: {  	_ =	sdelay $0x1  }
0x55: {  	s24 =	sadd.s32 $0x80, s24;
	s20 =	sadd.s32 $0x10, s20;
	s21 =	sadd.s32 $0x10, s21  }
0x56: {  	p0 =	sne.s32 s22, $0x270;
	s25 =	smov.u32 s22;
	s22 =	sadd.s32 $0x10, s22  }
0x57: {  	s26 =	sand.u32 $0x70, s25;
	s28 =	sand.u32 $0x1C00, s24;
	v11 =	vsel vm0, v10, v11  }
0x58: {  	s26 =	sor.u32 s26, s28;
	[tilespmem:s23+$0x0] =	vst v11;
	s23 =	smov.u32 s21  }
0x59: {  	v11 =	vld [tilespmem:s26+$0xD00]  }
0x5a: {  	v12 =	vld [tilespmem:s26+$0xC80]  }
0x5b: {  	v13 =	vld [tilespmem:s26+$0xD80]  }
0x5c: {  	v14 =	vld [tilespmem:s26+$0xC00];
	_ =	sdelay $0x2  }
0x5d: {  	v16 =	vmin.f32 v4, v11;
	v11 =	vmax.f32 v4, v11;
	v15 =	vld [tilespmem:s26+$0xE00]  }
0x5e: {  	v18 =	vmax.f32 v5, v12;
	v17 =	vmin.f32 v6, v13;
	v13 =	vmax.f32 v6, v13  }
0x5f: {  	v19 =	vmax.f32 v3, v14;
	v17 =	vsub.f32 v17, v18;
	v14 =	vmin.f32 v3, v14  }
0x60: {  	v12 =	vmin.f32 v5, v12;
	v16 =	vsub.f32 v16, v19;
	v11 =	vsub.f32 v11, v14  }
0x61: {  	v12 =	vsub.f32 v13, v12;
	v14 =	vmax.f32 v17, $0.0e+00  }
0x62: {  	v13 =	vmax.f32 v16, $0.0e+00;
	v15 =	vadd.f32 v15, v7  }
0x63: {  	v11 =	vmul.f32 v12, v11;
	v13 =	vmul.f32 v14, v13;
	_ =	sdelay $0x1  }
0x64: {  	v12 =	vsub.f32 v15, v13;
	(erf) = vrcp.f32 v11;
	_ =	sdelay $0x1  }
0x65: {  	v11 =	vsub.f32 v11, v12;
	(erf) = vrcp.f32 v12;
	_ =	sdelay $0x6  }
0x66: {  	v12 =	vpop (erf);
	_ =	sdelay $0x1  }
0x67: {  	v14 =	vpop (erf)  }
0x68: {  	v11 =	vmul.f32 v11, v12;
	v13 =	vmul.f32 v14, v13;
	v12 =	vld [tilespmem:s20+$0x0]  }
0x69: {  	s25 =	sadd.s32 s25, s10  }
0x6a: {  	v11 =	vsub.f32 v13, v11;
	v13 =	vmov s25  }
0x6b: {  	vm0 =	vlt.u32 v13, $0x4E20  }
.Ltmp1:
0x6c: {  	v11 =	vnsel vm0, $0xFF61B1E6, v11;
	(pc) =	sbr.rel @p0 .LBB2_5-.Ltmp1, $4  }
0x6d: {  	v13 =	vor.u32 s25, v2;
	vm0 =	vgt.f32 v11, v12;
	vm1 =	vgt.f32 v11, v9  }
0x6e: {  	v12 =	vsel vm0, v11, v12;
	v9 =	vsel vm1, v11, v9;
	v8 =	vsel vm1, v13, v8  }
0x6f: {  	[tilespmem:s20+$0x0] =	vst v12  }
0x70: {  	v11 =	vld [tilespmem:s21+$0x0]  }
0x71: {  	_ = 	snop  }
0x72: {  	s20 =	sshll.u32 s19, $0x7;
	s19 =	sadd.s32 $0x1, s19  }
0x73: {  	p0 =	sne.s32 s19, $0x64  }
.Ltmp2:
0x74: {  	_ = 	snop;
	(pc) =	sbr.rel @p0 .LBB2_4-.Ltmp2, $4  }
0x75: {  	v3 =	vsel vm0, v10, v11  }
0x76: {  	[tilespmem:s23+$0x0] =	vst v3  }
0x77: {  	[tilespmem:s20+$0x2500] =	vst v9  }
0x78: {  	[tilespmem:s20+$0x6500] =	vst v8  }
0x79: {  	[hbm4b:s5+s2] =	stream.linear.scatter [tilespmem:s13], [sflag:$0x1], $0x4000, $0x38;
	[tilespmem:$0xA500] =	vst v63  }
0x7a: {  	_ =	swait.ge [sflag:s11], $0x4000  }
0x7b: {  	[sflag:s11] =	ssyncset.done $0x0  }
0x7c: {  	[sflag:s11] =	ssyncadd.s32 $0xFFFFC000  }
0x7d: {  	[hbm4b:s6+s2] =	stream.linear.scatter [tilespmem:s14], [sflag:$0x1], $0x4000, $0x38;
	[tilespmem:$0xA500] =	vst v63  }
0x7e: {  	_ =	swait.ge [sflag:s11], $0x4000  }
0x7f: {  	[sflag:s11] =	ssyncset.done $0x0  }
0x80: {  	[sflag:s11] =	ssyncadd.s32 $0xFFFFC000  }
0x81: {  	[hbm4b:s7+s2] =	stream.linear.scatter [tilespmem:s15], [sflag:$0x1], $0x280, $0x38;
	[tilespmem:$0xA500] =	vst v63  }
0x82: {  	s17 =	sadd.s32 $0x1, s17;
	_ =	swait.ge [sflag:s11], $0x280  }
0x83: {  	p0 =	sne.s32 s17, s9;
	[sflag:s11] =	ssyncset.done $0x0  }
.Ltmp3:
0x84: {  	[sflag:s11] =	ssyncadd.s32 $0xFFFFFD80;
	(pc) =	sbr.rel @p0 .LBB2_1-.Ltmp3, $4  }
0x85: {  	[hbm4b:s8+s2] =	stream.linear.scatter [tilespmem:s16], [sflag:$0x1], $0x280, $0x38;
	[tilespmem:$0xA500] =	vst v63  }
0x86: {  	_ =	swait.ge [sflag:s11], $0x280  }
0x87: {  	[sflag:s11] =	ssyncset.done $0x0  }
0x88: {  	[sflag:s11] =	ssyncadd.s32 $0xFFFFFD80  }
0x89: {  	_ =	sfence.sel $0x180000  }
0x8a: {  	[bflag:$0x0] =	sbarrier.arrive $0xFFFF  }
0x8b: {  	p0 =	sne.s32 s0, $0x0;
	_ =	strace $0x90000047  }
0x8c: {  	s0 =	sadd.s32 @!p0 $0x100000, s1;
	[bflag:$0x2] =	sbarrier.arrive $0xFFFF  }
0x8d: {  	[sflag:s0] =	ssyncadd.tile.s32 @!p0 $0x1;
	_ =	shalt  }
.Lfunc_end2:
_tile_overlayer_lowered:
.L_overlay_start_2:
0x8e: {  	(tag) =	ssettag $0x2  }
0x8f: {  	s0 =	rddreg [dreg:$0x0];
	s2 =	stileid.u32  }
0x90: {  	s1 =	rddreg [dreg:$0x1];
	p0 =	sne.s32 s2, $0x0  }
0x91: {  	s3 =	rddreg [dreg:$0x2];
	[bflag:$0x3] =	sbarrier.arrive $0xFFFF;
	s2 =	simm.s32 @!p0 $0x1C01  }
0x92: {  	[timem:s3], [sflag:s2] =	dma.local @!p0 [hbm:s0], s1  }
0x93: {  	s0 =	simm.s32 @!p0 $0x1  }
0x94: {  	_ =	swait.ge @!p0 [sflag:s0], s1  }
0x95: {  	s1 =	ssub.s32 @!p0 $0x0, s1;
	[sflag:s0] =	ssyncset.done @!p0 $0x0  }
0x96: {  	[sflag:s0] =	ssyncadd.s32 @!p0 s1  }
0x97: {  	[bflag:$0x3] =	sbarrier.arrive $0xFFFF  }
0x98: {  	_ =	shalt  }

</sc_bundles>
